<compile_context>
chip_gen: v7x
topology: tpu7x:2x2x1
jax: 0.10.2.dev20260603
libtpu: 0.0.44.dev20260713+nightly
codegen_flags: <defaults>
</compile_context>

<pallas_src>
import functools

import numpy as np

import jax
import jax.numpy as jnp
from jax import lax
from jax.experimental import pallas as pl
from jax.experimental.pallas import tpu as pltpu
from jax.experimental.pallas import tpu_sc as plsc

N = 10000
E = 320000
D = 128
N_PAD = 10240
TN = 256
GRID = N_PAD // TN
NC, NS = 2, 16
NW = NC * NS
CHUNK = 64
NB = 3
NCH = 159
NQ = NCH // NB
E_PAD = NW * NCH * CHUNK
ROWS_PER_SUB = N_PAD // NS

_F32 = jnp.float32


def _dot(a, b):
    return jnp.dot(a, b, preferred_element_type=_F32,
                   precision=lax.Precision.HIGHEST)



def _tables0_body(x_ref, we_ref, wk_ref, out_ref):
    xt = x_ref[...]
    q = _dot(xt, wk_ref[0])
    for e in range(3):
        p = _dot(xt, we_ref[e])
        out_ref[2 * e] = p
        out_ref[2 * e + 1] = p + q


def _tables1_body(x_ref, acc_ref, we_ref, wk_ref, out_ref, cur_ref):
    xt = x_ref[...]
    cur = xt + jnp.maximum(acc_ref[0] + acc_ref[1], 0.0)
    cur_ref[...] = cur
    q1 = _dot(cur, wk_ref[1])
    q2 = _dot(xt, wk_ref[2])
    for e in range(3):
        p = _dot(cur, we_ref[e])
        out_ref[3 * e] = p
        out_ref[3 * e + 1] = p + q1
        out_ref[3 * e + 2] = p + q2


def _final_body(cur_ref, acc_ref, out_ref):
    out_ref[...] = cur_ref[...] + jnp.maximum(acc_ref[0] + acc_ref[1], 0.0)


_Z = np.int32(0)
_W_SPEC = pl.BlockSpec((3, D, D), lambda i: (_Z, _Z, _Z))
_X_SPEC = pl.BlockSpec((TN, D), lambda i: (i, _Z))
_ACC_SPEC = pl.BlockSpec((2, TN, D), lambda i: (_Z, i, _Z))

_tables0 = pl.pallas_call(
    _tables0_body,
    grid=(GRID,),
    in_specs=[_X_SPEC, _W_SPEC, _W_SPEC],
    out_specs=pl.BlockSpec((6, TN, D), lambda i: (_Z, i, _Z)),
    out_shape=jax.ShapeDtypeStruct((6, N_PAD, D), _F32),
)

_tables1 = pl.pallas_call(
    _tables1_body,
    grid=(GRID,),
    in_specs=[_X_SPEC, _ACC_SPEC, _W_SPEC, _W_SPEC],
    out_specs=[pl.BlockSpec((9, TN, D), lambda i: (_Z, i, _Z)), _X_SPEC],
    out_shape=[jax.ShapeDtypeStruct((9, N_PAD, D), _F32),
               jax.ShapeDtypeStruct((N_PAD, D), _F32)],
)

_final = pl.pallas_call(
    _final_body,
    grid=(GRID,),
    in_specs=[_X_SPEC, _ACC_SPEC],
    out_specs=_X_SPEC,
    out_shape=jax.ShapeDtypeStruct((N_PAD, D), _F32),
)



@functools.partial(
    pl.kernel,
    mesh=plsc.VectorSubcoreMesh(core_axis_name="c", subcore_axis_name="s"),
    out_type=jax.ShapeDtypeStruct((NC * N_PAD, D), _F32),
    scratch_types=(
        [pltpu.VMEM((NCH, CHUNK), jnp.int32)]
        + [pltpu.VMEM((CHUNK,), jnp.int32)] * NB
        + [pltpu.VMEM((CHUNK, D), _F32)] * NB
        + [pltpu.VMEM_SHARED((N_PAD, D), _F32)]
        + [pltpu.SemaphoreType.DMA] * (3 * NB)
    ),
)
def _sc_edge_accumulate(idx_hbm, dst_hbm, table_hbm, zeros_hbm, out_hbm,
                        idx_v, *rest):
    dstb = rest[:NB]
    buf = rest[NB:2 * NB]
    acc = rest[2 * NB]
    gsem = rest[2 * NB + 1:2 * NB + 1 + NB]
    dsem = rest[2 * NB + 1 + NB:2 * NB + 1 + 2 * NB]
    ssem = rest[2 * NB + 1 + 2 * NB:2 * NB + 1 + 3 * NB]

    def _i32(v):
        return jnp.int32(v)

    c = lax.axis_index("c")
    s = lax.axis_index("s")
    wid = c * NS + s
    r0 = s * ROWS_PER_SUB
    pltpu.sync_copy(zeros_hbm.at[pl.ds(r0, ROWS_PER_SUB)],
                    acc.at[pl.ds(r0, ROWS_PER_SUB)])
    pltpu.sync_copy(idx_hbm.at[wid], idx_v)
    plsc.subcore_barrier()

    def start_fetch(g, b):
        pltpu.async_copy(table_hbm.at[idx_v.at[_i32(g)]], buf[b], gsem[b])
        pltpu.async_copy(dst_hbm.at[wid, _i32(g)], dstb[b], dsem[b])

    def scatter_group(q):
        for b in range(NB):
            pltpu.make_async_copy(table_hbm.at[idx_v.at[_i32(0)]],
                                  buf[b], gsem[b]).wait()
            pltpu.make_async_copy(dst_hbm.at[wid, _i32(0)],
                                  dstb[b], dsem[b]).wait()
            pltpu.async_copy(buf[b], acc.at[dstb[b]], ssem[b], add=True)

    for b in range(NB):
        start_fetch(_i32(b), b)

    def body(q, carry):
        scatter_group(q)
        for b in range(NB):
            pltpu.make_async_copy(buf[b], acc.at[dstb[b]], ssem[b]).wait()
            start_fetch(q * NB + NB + b, b)
        return carry

    lax.fori_loop(jnp.int32(0), jnp.int32(NQ - 1), body, jnp.int32(0))
    scatter_group(_i32(NQ - 1))
    for b in range(NB):
        pltpu.make_async_copy(buf[b], acc.at[dstb[b]], ssem[b]).wait()

    plsc.subcore_barrier()
    pltpu.sync_copy(acc.at[pl.ds(r0, ROWS_PER_SUB)],
                    out_hbm.at[pl.ds(c * N_PAD + r0, ROWS_PER_SUB)])



def kernel(x, Wk, We, edge_index, edge_attr):
    x = x.astype(_F32)
    Wk = Wk.astype(_F32)
    We = We.astype(_F32)
    src = edge_index[0].astype(jnp.int32)
    dst = edge_index[1].astype(jnp.int32)
    ea0 = edge_attr[:, 0].astype(jnp.int32)
    ea1 = edge_attr[:, 1].astype(jnp.int32)

    x_pad = jnp.pad(x, ((0, N_PAD - N), (0, 0)))
    zeros = jnp.zeros((N_PAD, D), _F32)

    idx0 = (ea1 * 2 + (ea0 == 1).astype(jnp.int32)) * N_PAD + src
    idx1 = (ea1 * 3 + ea0) * N_PAD + src
    pad = E_PAD - E
    idx0_r = jnp.pad(idx0, (0, pad)).reshape(NW, NCH, CHUNK)
    idx1_r = jnp.pad(idx1, (0, pad)).reshape(NW, NCH, CHUNK)
    dst_r = jnp.pad(dst, (0, pad),
                    constant_values=N_PAD - 1).reshape(NW, NCH, CHUNK)

    t0 = _tables0(x_pad, We, Wk).reshape(6 * N_PAD, D)
    acc0 = _sc_edge_accumulate(idx0_r, dst_r, t0, zeros).reshape(2, N_PAD, D)
    t1, cur = _tables1(x_pad, acc0, We, Wk)
    t1 = t1.reshape(9 * N_PAD, D)
    acc1 = _sc_edge_accumulate(idx1_r, dst_r, t1, zeros).reshape(2, N_PAD, D)
    out = _final(cur, acc1)
    return out[:N].astype(jnp.float64)

# --- scband reference (transcript-rebuilt; emitter-appended) ---
"""Pipeline reference for scband-relational-delay-gnnstage-15470472200856 (READ-ONLY COPY).

The authoritative reference and input builder live on the scoring server;
editing this copy changes nothing except your own understanding.
"""

import jax, jax.numpy as jnp
import numpy as np

jax.config.update("jax_enable_x64", True)

N = 10000
E = 320000
D = 128
NUM_LAYERS = 2
RBAR = 1
EDGE_TYPES = [0, 1, 2]
NUM_KHOP_W = 3  # sum over t of (t+1) for t in range(NUM_LAYERS): 1 + 2


def setup_inputs(seed: int = 0) -> dict:
    key = jax.random.key(seed)
    k1, k2, k3, k4, k5 = jax.random.split(key, 5)
    x = jax.random.normal(k1, (N, D), dtype=jnp.float32)
    Wk = jax.random.normal(k2, (NUM_KHOP_W, D, D), dtype=jnp.float32) / np.sqrt(D)
    We = jax.random.normal(k3, (len(EDGE_TYPES), D, D), dtype=jnp.float32) / np.sqrt(D)
    edge_index = jax.random.randint(k4, (2, E), 0, N, dtype=jnp.int64)
    edge_attr = jax.random.randint(k5, (E, 2), 0, 3, dtype=jnp.int64)
    return {"x": x, "Wk": Wk, "We": We, "edge_index": edge_index, "edge_attr": edge_attr}


def _gcn_conv(x_in, W, src, dst, mask, n):
    # gather source-node features, transform, scatter-add into destination nodes
    msg = jnp.take(x_in, src, axis=0) @ W
    dst_masked = jnp.where(mask, dst, n)
    return jnp.zeros((n, W.shape[1]), dtype=msg.dtype).at[dst_masked].add(msg, mode="drop")


def reference(x, Wk, We, edge_index, edge_attr):
    n = x.shape[0]
    xs = []
    cur = x
    wi = 0
    for t in range(NUM_LAYERS):
        xs.append(cur)
        acc = jnp.zeros_like(xs[t])
        # per-edge-type message passing: A_edge(e) = edges with edge_attr[:,1] == e
        for ei, e in enumerate(EDGE_TYPES):
            m = edge_attr[:, 1] == e
            src = edge_index[0]
            dst = edge_index[1]
            acc = acc + _gcn_conv(xs[t], We[ei], src, dst, m, n)
        # k-hop delayed message passing: A(k) = edges with edge_attr[:,0] == k
        for k in range(1, t + 1 + 1):
            delay = max(k - RBAR, 0)
            m = edge_attr[:, 0] == k
            src = edge_index[0]
            dst = edge_index[1]
            acc = acc + _gcn_conv(xs[t - delay], Wk[wi], src, dst, m, n)
            wi += 1
        cur = xs[t] + jax.nn.relu(acc)
    return cur

if __name__ == "__main__":
    import jax
    _d = setup_inputs()
    print(jax.jit(kernel)(*tuple(_d.values())))

</pallas_src>

<mosaic_0001>
#map = affine_map<(d0, d1) -> (0, 0, 0)>
#map1 = affine_map<(d0, d1) -> (0, 0)>
module attributes {stable_mosaic.version = 14 : i64} {
  func.func @_sc_edge_accumulate(%arg0: i32, %arg1: i32, %arg2: memref<32x159x64xi32, #tpu.memory_space<hbm>>, %arg3: memref<32x159x64xi32, #tpu.memory_space<hbm>>, %arg4: memref<61440x128xf32, #tpu.memory_space<hbm>>, %arg5: memref<10240x128xf32, #tpu.memory_space<hbm>>, %arg6: memref<20480x128xf32, #tpu.memory_space<hbm>>, %arg7: memref<159x64xi32, #tpu.memory_space<vmem>>, %arg8: memref<64xi32, #tpu.memory_space<vmem>>, %arg9: memref<64xi32, #tpu.memory_space<vmem>>, %arg10: memref<64xi32, #tpu.memory_space<vmem>>, %arg11: memref<64x128xf32, #tpu.memory_space<vmem>>, %arg12: memref<64x128xf32, #tpu.memory_space<vmem>>, %arg13: memref<64x128xf32, #tpu.memory_space<vmem>>, %arg14: memref<10240x128xf32, #tpu.memory_space<vmem_shared>>, %arg15: memref<!tpu.dma_semaphore, #tpu.memory_space<semaphore_mem>>, %arg16: memref<!tpu.dma_semaphore, #tpu.memory_space<semaphore_mem>>, %arg17: memref<!tpu.dma_semaphore, #tpu.memory_space<semaphore_mem>>, %arg18: memref<!tpu.dma_semaphore, #tpu.memory_space<semaphore_mem>>, %arg19: memref<!tpu.dma_semaphore, #tpu.memory_space<semaphore_mem>>, %arg20: memref<!tpu.dma_semaphore, #tpu.memory_space<semaphore_mem>>, %arg21: memref<!tpu.dma_semaphore, #tpu.memory_space<semaphore_mem>>, %arg22: memref<!tpu.dma_semaphore, #tpu.memory_space<semaphore_mem>>, %arg23: memref<!tpu.dma_semaphore, #tpu.memory_space<semaphore_mem>>) attributes {dimension_semantics = [#tpu.dimension_semantics<core_parallel>, #tpu.dimension_semantics<subcore_parallel>], iteration_bounds = array<i64: 2, 16>, scalar_prefetch = 0 : i64, scratch_operands = 17 : i64, tpu.core_type = #tpu.core_type<sc_vector_subcore>, window_params = [{transform_indices = #map}, {transform_indices = #map}, {transform_indices = #map1}, {transform_indices = #map1}, {transform_indices = #map1}]} {
    %mul3A = arith.constant 16 : i32
    %mul3A_0 = arith.muli %arg0, %mul3A : i32
    %add3A = arith.addi %mul3A_0, %arg1 : i32
    %mul3A_1 = arith.constant 640 : i32
    %mul3A_2 = arith.muli %arg1, %mul3A_1 : i32
    "tpu.region"() ({
      %run_scoped3A = tpu.sem_alloc : memref<!tpu.dma_semaphore, #tpu.memory_space<semaphore_mem>>
      %dma_start3A_117 = arith.constant 0 : i32
      %dma_start3A_118 = tpu.memref_slice %arg14[%mul3A_2, %dma_start3A_117] : memref<10240x128xf32, #tpu.memory_space<vmem_shared>> -> memref<640x128xf32, #tpu.memory_space<vmem_shared>>
      %dma_start3A_119 = arith.constant 0 : i32
      %dma_start3A_120 = tpu.memref_slice %arg5[%mul3A_2, %dma_start3A_119] : memref<10240x128xf32, #tpu.memory_space<hbm>> -> memref<640x128xf32, #tpu.memory_space<hbm>>
      tpu.enqueue_dma source(%dma_start3A_120 : memref<640x128xf32, #tpu.memory_space<hbm>>) target(%dma_start3A_118 : memref<640x128xf32, #tpu.memory_space<vmem_shared>>) target_semaphore(%run_scoped3A : memref<!tpu.dma_semaphore, #tpu.memory_space<semaphore_mem>>)
      %dma_wait3A_121 = arith.constant 0 : i32
      %dma_wait3A_122 = tpu.memref_slice %arg14[%mul3A_2, %dma_wait3A_121] : memref<10240x128xf32, #tpu.memory_space<vmem_shared>> -> memref<640x128xf32, #tpu.memory_space<vmem_shared>>
      %dma_wait3A_123 = arith.constant 0 : i32
      %dma_wait3A_124 = tpu.memref_slice %arg5[%mul3A_2, %dma_wait3A_123] : memref<10240x128xf32, #tpu.memory_space<hbm>> -> memref<640x128xf32, #tpu.memory_space<hbm>>
      tpu.wait_dma2 semaphore(%run_scoped3A : memref<!tpu.dma_semaphore, #tpu.memory_space<semaphore_mem>>) src(%dma_wait3A_124 : memref<640x128xf32, #tpu.memory_space<hbm>>) dst(%dma_wait3A_122 : memref<640x128xf32, #tpu.memory_space<vmem_shared>>)
      tpu.yield
    }) : () -> ()
    "tpu.region"() ({
      %run_scoped3A = tpu.sem_alloc : memref<!tpu.dma_semaphore, #tpu.memory_space<semaphore_mem>>
      %dma_start3A_117 = arith.constant 0 : i32
      %dma_start3A_118 = arith.constant 0 : i32
      %dma_start3A_119 = tpu.memref_slice %arg2[%add3A, %dma_start3A_117, %dma_start3A_118] : memref<32x159x64xi32, #tpu.memory_space<hbm>> -> memref<1x159x64xi32, #tpu.memory_space<hbm>>
      %dma_start3A_120 = tpu.memref_squeeze %dma_start3A_119 : memref<1x159x64xi32, #tpu.memory_space<hbm>> -> memref<159x64xi32, #tpu.memory_space<hbm>>
      %dma_start3A_121 = arith.constant 0 : i32
      %dma_start3A_122 = arith.constant 0 : i32
      %dma_start3A_123 = tpu.memref_slice %arg2[%add3A, %dma_start3A_121, %dma_start3A_122] : memref<32x159x64xi32, #tpu.memory_space<hbm>> -> memref<1x159x64xi32, #tpu.memory_space<hbm>>
      %dma_start3A_124 = tpu.memref_squeeze %dma_start3A_123 : memref<1x159x64xi32, #tpu.memory_space<hbm>> -> memref<159x64xi32, #tpu.memory_space<hbm>>
      tpu.enqueue_dma source(%dma_start3A_124 : memref<159x64xi32, #tpu.memory_space<hbm>>) target(%arg7 : memref<159x64xi32, #tpu.memory_space<vmem>>) target_semaphore(%run_scoped3A : memref<!tpu.dma_semaphore, #tpu.memory_space<semaphore_mem>>)
      %dma_wait3A_125 = arith.constant 0 : i32
      %dma_wait3A_126 = arith.constant 0 : i32
      %dma_wait3A_127 = tpu.memref_slice %arg2[%add3A, %dma_wait3A_125, %dma_wait3A_126] : memref<32x159x64xi32, #tpu.memory_space<hbm>> -> memref<1x159x64xi32, #tpu.memory_space<hbm>>
      %dma_wait3A_128 = tpu.memref_squeeze %dma_wait3A_127 : memref<1x159x64xi32, #tpu.memory_space<hbm>> -> memref<159x64xi32, #tpu.memory_space<hbm>>
      %dma_wait3A_129 = arith.constant 0 : i32
      %dma_wait3A_130 = arith.constant 0 : i32
      %dma_wait3A_131 = tpu.memref_slice %arg2[%add3A, %dma_wait3A_129, %dma_wait3A_130] : memref<32x159x64xi32, #tpu.memory_space<hbm>> -> memref<1x159x64xi32, #tpu.memory_space<hbm>>
      %dma_wait3A_132 = tpu.memref_squeeze %dma_wait3A_131 : memref<1x159x64xi32, #tpu.memory_space<hbm>> -> memref<159x64xi32, #tpu.memory_space<hbm>>
      tpu.wait_dma2 semaphore(%run_scoped3A : memref<!tpu.dma_semaphore, #tpu.memory_space<semaphore_mem>>) src(%dma_wait3A_132 : memref<159x64xi32, #tpu.memory_space<hbm>>) dst(%arg7 : memref<159x64xi32, #tpu.memory_space<vmem>>)
      tpu.yield
    }) : () -> ()
    %barrier3A = arith.constant 0 : index
    tpu.barrier barrier_id(%barrier3A)
    %dma_start3A = arith.constant 0 : i32
    %dma_start3A_3 = arith.constant 0 : i32
    %dma_start3A_4 = tpu.memref_slice %arg7[%dma_start3A, %dma_start3A_3] : memref<159x64xi32, #tpu.memory_space<vmem>> -> memref<1x64xi32, #tpu.memory_space<vmem>>
    %dma_start3A_5 = tpu.memref_squeeze %dma_start3A_4 : memref<1x64xi32, #tpu.memory_space<vmem>> -> memref<64xi32, #tpu.memory_space<vmem>>
    %dma_start3A_6 = arith.constant 0 : i32
    %dma_start3A_7 = arith.constant 0 : i32
    %dma_start3A_8 = tpu.memref_slice %arg4[%dma_start3A_6, %dma_start3A_7] : memref<61440x128xf32, #tpu.memory_space<hbm>> -> memref<61440x128xf32, #tpu.memory_space<hbm>>
    tpu.enqueue_indirect_dma source(%dma_start3A_8 : memref<61440x128xf32, #tpu.memory_space<hbm>>) target(%arg11 : memref<64x128xf32, #tpu.memory_space<vmem>>) offsets(%dma_start3A_5 : memref<64xi32, #tpu.memory_space<vmem>>) semaphore(%arg15 : memref<!tpu.dma_semaphore, #tpu.memory_space<semaphore_mem>>)
    %dma_start3A_9 = arith.constant 0 : i32
    %dma_start3A_10 = arith.constant 0 : i32
    %dma_start3A_11 = tpu.memref_slice %arg3[%add3A, %dma_start3A_9, %dma_start3A_10] : memref<32x159x64xi32, #tpu.memory_space<hbm>> -> memref<1x1x64xi32, #tpu.memory_space<hbm>>
    %dma_start3A_12 = tpu.memref_squeeze %dma_start3A_11 : memref<1x1x64xi32, #tpu.memory_space<hbm>> -> memref<64xi32, #tpu.memory_space<hbm>>
    %dma_start3A_13 = arith.constant 0 : i32
    %dma_start3A_14 = tpu.memref_slice %arg3[%add3A, %dma_start3A_9, %dma_start3A_13] : memref<32x159x64xi32, #tpu.memory_space<hbm>> -> memref<1x1x64xi32, #tpu.memory_space<hbm>>
    %dma_start3A_15 = tpu.memref_squeeze %dma_start3A_14 : memref<1x1x64xi32, #tpu.memory_space<hbm>> -> memref<64xi32, #tpu.memory_space<hbm>>
    tpu.enqueue_dma source(%dma_start3A_15 : memref<64xi32, #tpu.memory_space<hbm>>) target(%arg8 : memref<64xi32, #tpu.memory_space<vmem>>) target_semaphore(%arg18 : memref<!tpu.dma_semaphore, #tpu.memory_space<semaphore_mem>>)
    %dma_start3A_16 = arith.constant 1 : i32
    %dma_start3A_17 = arith.constant 0 : i32
    %dma_start3A_18 = tpu.memref_slice %arg7[%dma_start3A_16, %dma_start3A_17] : memref<159x64xi32, #tpu.memory_space<vmem>> -> memref<1x64xi32, #tpu.memory_space<vmem>>
    %dma_start3A_19 = tpu.memref_squeeze %dma_start3A_18 : memref<1x64xi32, #tpu.memory_space<vmem>> -> memref<64xi32, #tpu.memory_space<vmem>>
    %dma_start3A_20 = arith.constant 0 : i32
    %dma_start3A_21 = arith.constant 0 : i32
    %dma_start3A_22 = tpu.memref_slice %arg4[%dma_start3A_20, %dma_start3A_21] : memref<61440x128xf32, #tpu.memory_space<hbm>> -> memref<61440x128xf32, #tpu.memory_space<hbm>>
    tpu.enqueue_indirect_dma source(%dma_start3A_22 : memref<61440x128xf32, #tpu.memory_space<hbm>>) target(%arg12 : memref<64x128xf32, #tpu.memory_space<vmem>>) offsets(%dma_start3A_19 : memref<64xi32, #tpu.memory_space<vmem>>) semaphore(%arg16 : memref<!tpu.dma_semaphore, #tpu.memory_space<semaphore_mem>>)
    %dma_start3A_23 = arith.constant 1 : i32
    %dma_start3A_24 = arith.constant 0 : i32
    %dma_start3A_25 = tpu.memref_slice %arg3[%add3A, %dma_start3A_23, %dma_start3A_24] : memref<32x159x64xi32, #tpu.memory_space<hbm>> -> memref<1x1x64xi32, #tpu.memory_space<hbm>>
    %dma_start3A_26 = tpu.memref_squeeze %dma_start3A_25 : memref<1x1x64xi32, #tpu.memory_space<hbm>> -> memref<64xi32, #tpu.memory_space<hbm>>
    %dma_start3A_27 = arith.constant 0 : i32
    %dma_start3A_28 = tpu.memref_slice %arg3[%add3A, %dma_start3A_23, %dma_start3A_27] : memref<32x159x64xi32, #tpu.memory_space<hbm>> -> memref<1x1x64xi32, #tpu.memory_space<hbm>>
    %dma_start3A_29 = tpu.memref_squeeze %dma_start3A_28 : memref<1x1x64xi32, #tpu.memory_space<hbm>> -> memref<64xi32, #tpu.memory_space<hbm>>
    tpu.enqueue_dma source(%dma_start3A_29 : memref<64xi32, #tpu.memory_space<hbm>>) target(%arg9 : memref<64xi32, #tpu.memory_space<vmem>>) target_semaphore(%arg19 : memref<!tpu.dma_semaphore, #tpu.memory_space<semaphore_mem>>)
    %dma_start3A_30 = arith.constant 2 : i32
    %dma_start3A_31 = arith.constant 0 : i32
    %dma_start3A_32 = tpu.memref_slice %arg7[%dma_start3A_30, %dma_start3A_31] : memref<159x64xi32, #tpu.memory_space<vmem>> -> memref<1x64xi32, #tpu.memory_space<vmem>>
    %dma_start3A_33 = tpu.memref_squeeze %dma_start3A_32 : memref<1x64xi32, #tpu.memory_space<vmem>> -> memref<64xi32, #tpu.memory_space<vmem>>
    %dma_start3A_34 = arith.constant 0 : i32
    %dma_start3A_35 = arith.constant 0 : i32
    %dma_start3A_36 = tpu.memref_slice %arg4[%dma_start3A_34, %dma_start3A_35] : memref<61440x128xf32, #tpu.memory_space<hbm>> -> memref<61440x128xf32, #tpu.memory_space<hbm>>
    tpu.enqueue_indirect_dma source(%dma_start3A_36 : memref<61440x128xf32, #tpu.memory_space<hbm>>) target(%arg13 : memref<64x128xf32, #tpu.memory_space<vmem>>) offsets(%dma_start3A_33 : memref<64xi32, #tpu.memory_space<vmem>>) semaphore(%arg17 : memref<!tpu.dma_semaphore, #tpu.memory_space<semaphore_mem>>)
    %dma_start3A_37 = arith.constant 2 : i32
    %dma_start3A_38 = arith.constant 0 : i32
    %dma_start3A_39 = tpu.memref_slice %arg3[%add3A, %dma_start3A_37, %dma_start3A_38] : memref<32x159x64xi32, #tpu.memory_space<hbm>> -> memref<1x1x64xi32, #tpu.memory_space<hbm>>
    %dma_start3A_40 = tpu.memref_squeeze %dma_start3A_39 : memref<1x1x64xi32, #tpu.memory_space<hbm>> -> memref<64xi32, #tpu.memory_space<hbm>>
    %dma_start3A_41 = arith.constant 0 : i32
    %dma_start3A_42 = tpu.memref_slice %arg3[%add3A, %dma_start3A_37, %dma_start3A_41] : memref<32x159x64xi32, #tpu.memory_space<hbm>> -> memref<1x1x64xi32, #tpu.memory_space<hbm>>
    %dma_start3A_43 = tpu.memref_squeeze %dma_start3A_42 : memref<1x1x64xi32, #tpu.memory_space<hbm>> -> memref<64xi32, #tpu.memory_space<hbm>>
    tpu.enqueue_dma source(%dma_start3A_43 : memref<64xi32, #tpu.memory_space<hbm>>) target(%arg10 : memref<64xi32, #tpu.memory_space<vmem>>) target_semaphore(%arg20 : memref<!tpu.dma_semaphore, #tpu.memory_space<semaphore_mem>>)
    %while3A = arith.constant 0 : i32
    %while3A_44 = arith.constant 0 : i32
    %while3A_45 = arith.constant 52 : i32
    %while3A_46 = arith.subi %while3A_45, %while3A_44 : i32
    %while3A_47 = arith.addi %while3A_44, %while3A_46 : i32
    %while3A_48 = arith.constant 1 : i32
    %while3A_49 = arith.divsi %while3A_46, %while3A_48 : i32
    %while3A_50 = arith.muli %while3A_49, %while3A_48 : i32
    %while3A_51 = arith.addi %while3A_44, %while3A_50 : i32
    %while3A_52 = arith.constant 1 : i32
    scf.for %while3A_117 = %while3A_44 to %while3A_51 step %while3A_52  : i32 {
      %dma_wait3A_118 = arith.constant 0 : i32
      %dma_wait3A_119 = arith.constant 0 : i32
      %dma_wait3A_120 = tpu.memref_slice %arg7[%dma_wait3A_118, %dma_wait3A_119] : memref<159x64xi32, #tpu.memory_space<vmem>> -> memref<1x64xi32, #tpu.memory_space<vmem>>
      %dma_wait3A_121 = tpu.memref_squeeze %dma_wait3A_120 : memref<1x64xi32, #tpu.memory_space<vmem>> -> memref<64xi32, #tpu.memory_space<vmem>>
      %dma_wait3A_122 = arith.constant 0 : i32
      %dma_wait3A_123 = arith.constant 0 : i32
      %dma_wait3A_124 = tpu.memref_slice %arg4[%dma_wait3A_122, %dma_wait3A_123] : memref<61440x128xf32, #tpu.memory_space<hbm>> -> memref<61440x128xf32, #tpu.memory_space<hbm>>
      tpu.wait_indirect_dma semaphore(%arg15 : memref<!tpu.dma_semaphore, #tpu.memory_space<semaphore_mem>>) src(%dma_wait3A_124 : memref<61440x128xf32, #tpu.memory_space<hbm>>) dst(%arg11 : memref<64x128xf32, #tpu.memory_space<vmem>>)
      %dma_wait3A_125 = arith.constant 0 : i32
      %dma_wait3A_126 = arith.constant 0 : i32
      %dma_wait3A_127 = tpu.memref_slice %arg3[%add3A, %dma_wait3A_125, %dma_wait3A_126] : memref<32x159x64xi32, #tpu.memory_space<hbm>> -> memref<1x1x64xi32, #tpu.memory_space<hbm>>
      %dma_wait3A_128 = tpu.memref_squeeze %dma_wait3A_127 : memref<1x1x64xi32, #tpu.memory_space<hbm>> -> memref<64xi32, #tpu.memory_space<hbm>>
      %dma_wait3A_129 = arith.constant 0 : i32
      %dma_wait3A_130 = tpu.memref_slice %arg3[%add3A, %dma_wait3A_125, %dma_wait3A_129] : memref<32x159x64xi32, #tpu.memory_space<hbm>> -> memref<1x1x64xi32, #tpu.memory_space<hbm>>
      %dma_wait3A_131 = tpu.memref_squeeze %dma_wait3A_130 : memref<1x1x64xi32, #tpu.memory_space<hbm>> -> memref<64xi32, #tpu.memory_space<hbm>>
      tpu.wait_dma2 semaphore(%arg18 : memref<!tpu.dma_semaphore, #tpu.memory_space<semaphore_mem>>) src(%dma_wait3A_131 : memref<64xi32, #tpu.memory_space<hbm>>) dst(%arg8 : memref<64xi32, #tpu.memory_space<vmem>>)
      %dma_start3A_132 = arith.constant 0 : i32
      %dma_start3A_133 = arith.constant 0 : i32
      %dma_start3A_134 = tpu.memref_slice %arg14[%dma_start3A_132, %dma_start3A_133] : memref<10240x128xf32, #tpu.memory_space<vmem_shared>> -> memref<10240x128xf32, #tpu.memory_space<vmem_shared>>
      tpu.enqueue_indirect_dma source(%arg11 : memref<64x128xf32, #tpu.memory_space<vmem>>) target(%dma_start3A_134 : memref<10240x128xf32, #tpu.memory_space<vmem_shared>>) offsets(%arg8 : memref<64xi32, #tpu.memory_space<vmem>>) semaphore(%arg21 : memref<!tpu.dma_semaphore, #tpu.memory_space<semaphore_mem>>) {add = true}
      %dma_wait3A_135 = arith.constant 0 : i32
      %dma_wait3A_136 = arith.constant 0 : i32
      %dma_wait3A_137 = tpu.memref_slice %arg7[%dma_wait3A_135, %dma_wait3A_136] : memref<159x64xi32, #tpu.memory_space<vmem>> -> memref<1x64xi32, #tpu.memory_space<vmem>>
      %dma_wait3A_138 = tpu.memref_squeeze %dma_wait3A_137 : memref<1x64xi32, #tpu.memory_space<vmem>> -> memref<64xi32, #tpu.memory_space<vmem>>
      %dma_wait3A_139 = arith.constant 0 : i32
      %dma_wait3A_140 = arith.constant 0 : i32
      %dma_wait3A_141 = tpu.memref_slice %arg4[%dma_wait3A_139, %dma_wait3A_140] : memref<61440x128xf32, #tpu.memory_space<hbm>> -> memref<61440x128xf32, #tpu.memory_space<hbm>>
      tpu.wait_indirect_dma semaphore(%arg16 : memref<!tpu.dma_semaphore, #tpu.memory_space<semaphore_mem>>) src(%dma_wait3A_141 : memref<61440x128xf32, #tpu.memory_space<hbm>>) dst(%arg12 : memref<64x128xf32, #tpu.memory_space<vmem>>)
      %dma_wait3A_142 = arith.constant 0 : i32
      %dma_wait3A_143 = arith.constant 0 : i32
      %dma_wait3A_144 = tpu.memref_slice %arg3[%add3A, %dma_wait3A_142, %dma_wait3A_143] : memref<32x159x64xi32, #tpu.memory_space<hbm>> -> memref<1x1x64xi32, #tpu.memory_space<hbm>>
      %dma_wait3A_145 = tpu.memref_squeeze %dma_wait3A_144 : memref<1x1x64xi32, #tpu.memory_space<hbm>> -> memref<64xi32, #tpu.memory_space<hbm>>
      %dma_wait3A_146 = arith.constant 0 : i32
      %dma_wait3A_147 = tpu.memref_slice %arg3[%add3A, %dma_wait3A_142, %dma_wait3A_146] : memref<32x159x64xi32, #tpu.memory_space<hbm>> -> memref<1x1x64xi32, #tpu.memory_space<hbm>>
      %dma_wait3A_148 = tpu.memref_squeeze %dma_wait3A_147 : memref<1x1x64xi32, #tpu.memory_space<hbm>> -> memref<64xi32, #tpu.memory_space<hbm>>
      tpu.wait_dma2 semaphore(%arg19 : memref<!tpu.dma_semaphore, #tpu.memory_space<semaphore_mem>>) src(%dma_wait3A_148 : memref<64xi32, #tpu.memory_space<hbm>>) dst(%arg9 : memref<64xi32, #tpu.memory_space<vmem>>)
      %dma_start3A_149 = arith.constant 0 : i32
      %dma_start3A_150 = arith.constant 0 : i32
      %dma_start3A_151 = tpu.memref_slice %arg14[%dma_start3A_149, %dma_start3A_150] : memref<10240x128xf32, #tpu.memory_space<vmem_shared>> -> memref<10240x128xf32, #tpu.memory_space<vmem_shared>>
      tpu.enqueue_indirect_dma source(%arg12 : memref<64x128xf32, #tpu.memory_space<vmem>>) target(%dma_start3A_151 : memref<10240x128xf32, #tpu.memory_space<vmem_shared>>) offsets(%arg9 : memref<64xi32, #tpu.memory_space<vmem>>) semaphore(%arg22 : memref<!tpu.dma_semaphore, #tpu.memory_space<semaphore_mem>>) {add = true}
      %dma_wait3A_152 = arith.constant 0 : i32
      %dma_wait3A_153 = arith.constant 0 : i32
      %dma_wait3A_154 = tpu.memref_slice %arg7[%dma_wait3A_152, %dma_wait3A_153] : memref<159x64xi32, #tpu.memory_space<vmem>> -> memref<1x64xi32, #tpu.memory_space<vmem>>
      %dma_wait3A_155 = tpu.memref_squeeze %dma_wait3A_154 : memref<1x64xi32, #tpu.memory_space<vmem>> -> memref<64xi32, #tpu.memory_space<vmem>>
      %dma_wait3A_156 = arith.constant 0 : i32
      %dma_wait3A_157 = arith.constant 0 : i32
      %dma_wait3A_158 = tpu.memref_slice %arg4[%dma_wait3A_156, %dma_wait3A_157] : memref<61440x128xf32, #tpu.memory_space<hbm>> -> memref<61440x128xf32, #tpu.memory_space<hbm>>
      tpu.wait_indirect_dma semaphore(%arg17 : memref<!tpu.dma_semaphore, #tpu.memory_space<semaphore_mem>>) src(%dma_wait3A_158 : memref<61440x128xf32, #tpu.memory_space<hbm>>) dst(%arg13 : memref<64x128xf32, #tpu.memory_space<vmem>>)
      %dma_wait3A_159 = arith.constant 0 : i32
      %dma_wait3A_160 = arith.constant 0 : i32
      %dma_wait3A_161 = tpu.memref_slice %arg3[%add3A, %dma_wait3A_159, %dma_wait3A_160] : memref<32x159x64xi32, #tpu.memory_space<hbm>> -> memref<1x1x64xi32, #tpu.memory_space<hbm>>
      %dma_wait3A_162 = tpu.memref_squeeze %dma_wait3A_161 : memref<1x1x64xi32, #tpu.memory_space<hbm>> -> memref<64xi32, #tpu.memory_space<hbm>>
      %dma_wait3A_163 = arith.constant 0 : i32
      %dma_wait3A_164 = tpu.memref_slice %arg3[%add3A, %dma_wait3A_159, %dma_wait3A_163] : memref<32x159x64xi32, #tpu.memory_space<hbm>> -> memref<1x1x64xi32, #tpu.memory_space<hbm>>
      %dma_wait3A_165 = tpu.memref_squeeze %dma_wait3A_164 : memref<1x1x64xi32, #tpu.memory_space<hbm>> -> memref<64xi32, #tpu.memory_space<hbm>>
      tpu.wait_dma2 semaphore(%arg20 : memref<!tpu.dma_semaphore, #tpu.memory_space<semaphore_mem>>) src(%dma_wait3A_165 : memref<64xi32, #tpu.memory_space<hbm>>) dst(%arg10 : memref<64xi32, #tpu.memory_space<vmem>>)
      %dma_start3A_166 = arith.constant 0 : i32
      %dma_start3A_167 = arith.constant 0 : i32
      %dma_start3A_168 = tpu.memref_slice %arg14[%dma_start3A_166, %dma_start3A_167] : memref<10240x128xf32, #tpu.memory_space<vmem_shared>> -> memref<10240x128xf32, #tpu.memory_space<vmem_shared>>
      tpu.enqueue_indirect_dma source(%arg13 : memref<64x128xf32, #tpu.memory_space<vmem>>) target(%dma_start3A_168 : memref<10240x128xf32, #tpu.memory_space<vmem_shared>>) offsets(%arg10 : memref<64xi32, #tpu.memory_space<vmem>>) semaphore(%arg23 : memref<!tpu.dma_semaphore, #tpu.memory_space<semaphore_mem>>) {add = true}
      %dma_wait3A_169 = arith.constant 0 : i32
      %dma_wait3A_170 = arith.constant 0 : i32
      %dma_wait3A_171 = tpu.memref_slice %arg14[%dma_wait3A_169, %dma_wait3A_170] : memref<10240x128xf32, #tpu.memory_space<vmem_shared>> -> memref<10240x128xf32, #tpu.memory_space<vmem_shared>>
      tpu.wait_indirect_dma semaphore(%arg21 : memref<!tpu.dma_semaphore, #tpu.memory_space<semaphore_mem>>) src(%arg11 : memref<64x128xf32, #tpu.memory_space<vmem>>) dst(%dma_wait3A_171 : memref<10240x128xf32, #tpu.memory_space<vmem_shared>>)
      %mul3A_172 = arith.constant 3 : i32
      %mul3A_173 = arith.muli %while3A_117, %mul3A_172 : i32
      %add3A_174 = arith.constant 3 : i32
      %add3A_175 = arith.addi %mul3A_173, %add3A_174 : i32
      %add3A_176 = arith.constant 0 : i32
      %add3A_177 = arith.addi %add3A_175, %add3A_176 : i32
      %dma_start3A_178 = arith.constant 0 : i32
      %dma_start3A_179 = tpu.memref_slice %arg7[%add3A_177, %dma_start3A_178] : memref<159x64xi32, #tpu.memory_space<vmem>> -> memref<1x64xi32, #tpu.memory_space<vmem>>
      %dma_start3A_180 = tpu.memref_squeeze %dma_start3A_179 : memref<1x64xi32, #tpu.memory_space<vmem>> -> memref<64xi32, #tpu.memory_space<vmem>>
      %dma_start3A_181 = arith.constant 0 : i32
      %dma_start3A_182 = arith.constant 0 : i32
      %dma_start3A_183 = tpu.memref_slice %arg4[%dma_start3A_181, %dma_start3A_182] : memref<61440x128xf32, #tpu.memory_space<hbm>> -> memref<61440x128xf32, #tpu.memory_space<hbm>>
      tpu.enqueue_indirect_dma source(%dma_start3A_183 : memref<61440x128xf32, #tpu.memory_space<hbm>>) target(%arg11 : memref<64x128xf32, #tpu.memory_space<vmem>>) offsets(%dma_start3A_180 : memref<64xi32, #tpu.memory_space<vmem>>) semaphore(%arg15 : memref<!tpu.dma_semaphore, #tpu.memory_space<semaphore_mem>>)
      %dma_start3A_184 = arith.constant 0 : i32
      %dma_start3A_185 = tpu.memref_slice %arg3[%add3A, %add3A_177, %dma_start3A_184] : memref<32x159x64xi32, #tpu.memory_space<hbm>> -> memref<1x1x64xi32, #tpu.memory_space<hbm>>
      %dma_start3A_186 = tpu.memref_squeeze %dma_start3A_185 : memref<1x1x64xi32, #tpu.memory_space<hbm>> -> memref<64xi32, #tpu.memory_space<hbm>>
      %dma_start3A_187 = arith.constant 0 : i32
      %dma_start3A_188 = tpu.memref_slice %arg3[%add3A, %add3A_177, %dma_start3A_187] : memref<32x159x64xi32, #tpu.memory_space<hbm>> -> memref<1x1x64xi32, #tpu.memory_space<hbm>>
      %dma_start3A_189 = tpu.memref_squeeze %dma_start3A_188 : memref<1x1x64xi32, #tpu.memory_space<hbm>> -> memref<64xi32, #tpu.memory_space<hbm>>
      tpu.enqueue_dma source(%dma_start3A_189 : memref<64xi32, #tpu.memory_space<hbm>>) target(%arg8 : memref<64xi32, #tpu.memory_space<vmem>>) target_semaphore(%arg18 : memref<!tpu.dma_semaphore, #tpu.memory_space<semaphore_mem>>)
      %dma_wait3A_190 = arith.constant 0 : i32
      %dma_wait3A_191 = arith.constant 0 : i32
      %dma_wait3A_192 = tpu.memref_slice %arg14[%dma_wait3A_190, %dma_wait3A_191] : memref<10240x128xf32, #tpu.memory_space<vmem_shared>> -> memref<10240x128xf32, #tpu.memory_space<vmem_shared>>
      tpu.wait_indirect_dma semaphore(%arg22 : memref<!tpu.dma_semaphore, #tpu.memory_space<semaphore_mem>>) src(%arg12 : memref<64x128xf32, #tpu.memory_space<vmem>>) dst(%dma_wait3A_192 : memref<10240x128xf32, #tpu.memory_space<vmem_shared>>)
      %mul3A_193 = arith.constant 3 : i32
      %mul3A_194 = arith.muli %while3A_117, %mul3A_193 : i32
      %add3A_195 = arith.constant 3 : i32
      %add3A_196 = arith.addi %mul3A_194, %add3A_195 : i32
      %add3A_197 = arith.constant 1 : i32
      %add3A_198 = arith.addi %add3A_196, %add3A_197 : i32
      %dma_start3A_199 = arith.constant 0 : i32
      %dma_start3A_200 = tpu.memref_slice %arg7[%add3A_198, %dma_start3A_199] : memref<159x64xi32, #tpu.memory_space<vmem>> -> memref<1x64xi32, #tpu.memory_space<vmem>>
      %dma_start3A_201 = tpu.memref_squeeze %dma_start3A_200 : memref<1x64xi32, #tpu.memory_space<vmem>> -> memref<64xi32, #tpu.memory_space<vmem>>
      %dma_start3A_202 = arith.constant 0 : i32
      %dma_start3A_203 = arith.constant 0 : i32
      %dma_start3A_204 = tpu.memref_slice %arg4[%dma_start3A_202, %dma_start3A_203] : memref<61440x128xf32, #tpu.memory_space<hbm>> -> memref<61440x128xf32, #tpu.memory_space<hbm>>
      tpu.enqueue_indirect_dma source(%dma_start3A_204 : memref<61440x128xf32, #tpu.memory_space<hbm>>) target(%arg12 : memref<64x128xf32, #tpu.memory_space<vmem>>) offsets(%dma_start3A_201 : memref<64xi32, #tpu.memory_space<vmem>>) semaphore(%arg16 : memref<!tpu.dma_semaphore, #tpu.memory_space<semaphore_mem>>)
      %dma_start3A_205 = arith.constant 0 : i32
      %dma_start3A_206 = tpu.memref_slice %arg3[%add3A, %add3A_198, %dma_start3A_205] : memref<32x159x64xi32, #tpu.memory_space<hbm>> -> memref<1x1x64xi32, #tpu.memory_space<hbm>>
      %dma_start3A_207 = tpu.memref_squeeze %dma_start3A_206 : memref<1x1x64xi32, #tpu.memory_space<hbm>> -> memref<64xi32, #tpu.memory_space<hbm>>
      %dma_start3A_208 = arith.constant 0 : i32
      %dma_start3A_209 = tpu.memref_slice %arg3[%add3A, %add3A_198, %dma_start3A_208] : memref<32x159x64xi32, #tpu.memory_space<hbm>> -> memref<1x1x64xi32, #tpu.memory_space<hbm>>
      %dma_start3A_210 = tpu.memref_squeeze %dma_start3A_209 : memref<1x1x64xi32, #tpu.memory_space<hbm>> -> memref<64xi32, #tpu.memory_space<hbm>>
      tpu.enqueue_dma source(%dma_start3A_210 : memref<64xi32, #tpu.memory_space<hbm>>) target(%arg9 : memref<64xi32, #tpu.memory_space<vmem>>) target_semaphore(%arg19 : memref<!tpu.dma_semaphore, #tpu.memory_space<semaphore_mem>>)
      %dma_wait3A_211 = arith.constant 0 : i32
      %dma_wait3A_212 = arith.constant 0 : i32
      %dma_wait3A_213 = tpu.memref_slice %arg14[%dma_wait3A_211, %dma_wait3A_212] : memref<10240x128xf32, #tpu.memory_space<vmem_shared>> -> memref<10240x128xf32, #tpu.memory_space<vmem_shared>>
      tpu.wait_indirect_dma semaphore(%arg23 : memref<!tpu.dma_semaphore, #tpu.memory_space<semaphore_mem>>) src(%arg13 : memref<64x128xf32, #tpu.memory_space<vmem>>) dst(%dma_wait3A_213 : memref<10240x128xf32, #tpu.memory_space<vmem_shared>>)
      %mul3A_214 = arith.constant 3 : i32
      %mul3A_215 = arith.muli %while3A_117, %mul3A_214 : i32
      %add3A_216 = arith.constant 3 : i32
      %add3A_217 = arith.addi %mul3A_215, %add3A_216 : i32
      %add3A_218 = arith.constant 2 : i32
      %add3A_219 = arith.addi %add3A_217, %add3A_218 : i32
      %dma_start3A_220 = arith.constant 0 : i32
      %dma_start3A_221 = tpu.memref_slice %arg7[%add3A_219, %dma_start3A_220] : memref<159x64xi32, #tpu.memory_space<vmem>> -> memref<1x64xi32, #tpu.memory_space<vmem>>
      %dma_start3A_222 = tpu.memref_squeeze %dma_start3A_221 : memref<1x64xi32, #tpu.memory_space<vmem>> -> memref<64xi32, #tpu.memory_space<vmem>>
      %dma_start3A_223 = arith.constant 0 : i32
      %dma_start3A_224 = arith.constant 0 : i32
      %dma_start3A_225 = tpu.memref_slice %arg4[%dma_start3A_223, %dma_start3A_224] : memref<61440x128xf32, #tpu.memory_space<hbm>> -> memref<61440x128xf32, #tpu.memory_space<hbm>>
      tpu.enqueue_indirect_dma source(%dma_start3A_225 : memref<61440x128xf32, #tpu.memory_space<hbm>>) target(%arg13 : memref<64x128xf32, #tpu.memory_space<vmem>>) offsets(%dma_start3A_222 : memref<64xi32, #tpu.memory_space<vmem>>) semaphore(%arg17 : memref<!tpu.dma_semaphore, #tpu.memory_space<semaphore_mem>>)
      %dma_start3A_226 = arith.constant 0 : i32
      %dma_start3A_227 = tpu.memref_slice %arg3[%add3A, %add3A_219, %dma_start3A_226] : memref<32x159x64xi32, #tpu.memory_space<hbm>> -> memref<1x1x64xi32, #tpu.memory_space<hbm>>
      %dma_start3A_228 = tpu.memref_squeeze %dma_start3A_227 : memref<1x1x64xi32, #tpu.memory_space<hbm>> -> memref<64xi32, #tpu.memory_space<hbm>>
      %dma_start3A_229 = arith.constant 0 : i32
      %dma_start3A_230 = tpu.memref_slice %arg3[%add3A, %add3A_219, %dma_start3A_229] : memref<32x159x64xi32, #tpu.memory_space<hbm>> -> memref<1x1x64xi32, #tpu.memory_space<hbm>>
      %dma_start3A_231 = tpu.memref_squeeze %dma_start3A_230 : memref<1x1x64xi32, #tpu.memory_space<hbm>> -> memref<64xi32, #tpu.memory_space<hbm>>
      tpu.enqueue_dma source(%dma_start3A_231 : memref<64xi32, #tpu.memory_space<hbm>>) target(%arg10 : memref<64xi32, #tpu.memory_space<vmem>>) target_semaphore(%arg20 : memref<!tpu.dma_semaphore, #tpu.memory_space<semaphore_mem>>)
    }
    %while3A_53 = arith.constant 1 : i32
    scf.for %while3A_117 = %while3A_51 to %while3A_47 step %while3A_53  : i32 {
      %dma_wait3A_118 = arith.constant 0 : i32
      %dma_wait3A_119 = arith.constant 0 : i32
      %dma_wait3A_120 = tpu.memref_slice %arg7[%dma_wait3A_118, %dma_wait3A_119] : memref<159x64xi32, #tpu.memory_space<vmem>> -> memref<1x64xi32, #tpu.memory_space<vmem>>
      %dma_wait3A_121 = tpu.memref_squeeze %dma_wait3A_120 : memref<1x64xi32, #tpu.memory_space<vmem>> -> memref<64xi32, #tpu.memory_space<vmem>>
      %dma_wait3A_122 = arith.constant 0 : i32
      %dma_wait3A_123 = arith.constant 0 : i32
      %dma_wait3A_124 = tpu.memref_slice %arg4[%dma_wait3A_122, %dma_wait3A_123] : memref<61440x128xf32, #tpu.memory_space<hbm>> -> memref<61440x128xf32, #tpu.memory_space<hbm>>
      tpu.wait_indirect_dma semaphore(%arg15 : memref<!tpu.dma_semaphore, #tpu.memory_space<semaphore_mem>>) src(%dma_wait3A_124 : memref<61440x128xf32, #tpu.memory_space<hbm>>) dst(%arg11 : memref<64x128xf32, #tpu.memory_space<vmem>>)
      %dma_wait3A_125 = arith.constant 0 : i32
      %dma_wait3A_126 = arith.constant 0 : i32
      %dma_wait3A_127 = tpu.memref_slice %arg3[%add3A, %dma_wait3A_125, %dma_wait3A_126] : memref<32x159x64xi32, #tpu.memory_space<hbm>> -> memref<1x1x64xi32, #tpu.memory_space<hbm>>
      %dma_wait3A_128 = tpu.memref_squeeze %dma_wait3A_127 : memref<1x1x64xi32, #tpu.memory_space<hbm>> -> memref<64xi32, #tpu.memory_space<hbm>>
      %dma_wait3A_129 = arith.constant 0 : i32
      %dma_wait3A_130 = tpu.memref_slice %arg3[%add3A, %dma_wait3A_125, %dma_wait3A_129] : memref<32x159x64xi32, #tpu.memory_space<hbm>> -> memref<1x1x64xi32, #tpu.memory_space<hbm>>
      %dma_wait3A_131 = tpu.memref_squeeze %dma_wait3A_130 : memref<1x1x64xi32, #tpu.memory_space<hbm>> -> memref<64xi32, #tpu.memory_space<hbm>>
      tpu.wait_dma2 semaphore(%arg18 : memref<!tpu.dma_semaphore, #tpu.memory_space<semaphore_mem>>) src(%dma_wait3A_131 : memref<64xi32, #tpu.memory_space<hbm>>) dst(%arg8 : memref<64xi32, #tpu.memory_space<vmem>>)
      %dma_start3A_132 = arith.constant 0 : i32
      %dma_start3A_133 = arith.constant 0 : i32
      %dma_start3A_134 = tpu.memref_slice %arg14[%dma_start3A_132, %dma_start3A_133] : memref<10240x128xf32, #tpu.memory_space<vmem_shared>> -> memref<10240x128xf32, #tpu.memory_space<vmem_shared>>
      tpu.enqueue_indirect_dma source(%arg11 : memref<64x128xf32, #tpu.memory_space<vmem>>) target(%dma_start3A_134 : memref<10240x128xf32, #tpu.memory_space<vmem_shared>>) offsets(%arg8 : memref<64xi32, #tpu.memory_space<vmem>>) semaphore(%arg21 : memref<!tpu.dma_semaphore, #tpu.memory_space<semaphore_mem>>) {add = true}
      %dma_wait3A_135 = arith.constant 0 : i32
      %dma_wait3A_136 = arith.constant 0 : i32
      %dma_wait3A_137 = tpu.memref_slice %arg7[%dma_wait3A_135, %dma_wait3A_136] : memref<159x64xi32, #tpu.memory_space<vmem>> -> memref<1x64xi32, #tpu.memory_space<vmem>>
      %dma_wait3A_138 = tpu.memref_squeeze %dma_wait3A_137 : memref<1x64xi32, #tpu.memory_space<vmem>> -> memref<64xi32, #tpu.memory_space<vmem>>
      %dma_wait3A_139 = arith.constant 0 : i32
      %dma_wait3A_140 = arith.constant 0 : i32
      %dma_wait3A_141 = tpu.memref_slice %arg4[%dma_wait3A_139, %dma_wait3A_140] : memref<61440x128xf32, #tpu.memory_space<hbm>> -> memref<61440x128xf32, #tpu.memory_space<hbm>>
      tpu.wait_indirect_dma semaphore(%arg16 : memref<!tpu.dma_semaphore, #tpu.memory_space<semaphore_mem>>) src(%dma_wait3A_141 : memref<61440x128xf32, #tpu.memory_space<hbm>>) dst(%arg12 : memref<64x128xf32, #tpu.memory_space<vmem>>)
      %dma_wait3A_142 = arith.constant 0 : i32
      %dma_wait3A_143 = arith.constant 0 : i32
      %dma_wait3A_144 = tpu.memref_slice %arg3[%add3A, %dma_wait3A_142, %dma_wait3A_143] : memref<32x159x64xi32, #tpu.memory_space<hbm>> -> memref<1x1x64xi32, #tpu.memory_space<hbm>>
      %dma_wait3A_145 = tpu.memref_squeeze %dma_wait3A_144 : memref<1x1x64xi32, #tpu.memory_space<hbm>> -> memref<64xi32, #tpu.memory_space<hbm>>
      %dma_wait3A_146 = arith.constant 0 : i32
      %dma_wait3A_147 = tpu.memref_slice %arg3[%add3A, %dma_wait3A_142, %dma_wait3A_146] : memref<32x159x64xi32, #tpu.memory_space<hbm>> -> memref<1x1x64xi32, #tpu.memory_space<hbm>>
      %dma_wait3A_148 = tpu.memref_squeeze %dma_wait3A_147 : memref<1x1x64xi32, #tpu.memory_space<hbm>> -> memref<64xi32, #tpu.memory_space<hbm>>
      tpu.wait_dma2 semaphore(%arg19 : memref<!tpu.dma_semaphore, #tpu.memory_space<semaphore_mem>>) src(%dma_wait3A_148 : memref<64xi32, #tpu.memory_space<hbm>>) dst(%arg9 : memref<64xi32, #tpu.memory_space<vmem>>)
      %dma_start3A_149 = arith.constant 0 : i32
      %dma_start3A_150 = arith.constant 0 : i32
      %dma_start3A_151 = tpu.memref_slice %arg14[%dma_start3A_149, %dma_start3A_150] : memref<10240x128xf32, #tpu.memory_space<vmem_shared>> -> memref<10240x128xf32, #tpu.memory_space<vmem_shared>>
      tpu.enqueue_indirect_dma source(%arg12 : memref<64x128xf32, #tpu.memory_space<vmem>>) target(%dma_start3A_151 : memref<10240x128xf32, #tpu.memory_space<vmem_shared>>) offsets(%arg9 : memref<64xi32, #tpu.memory_space<vmem>>) semaphore(%arg22 : memref<!tpu.dma_semaphore, #tpu.memory_space<semaphore_mem>>) {add = true}
      %dma_wait3A_152 = arith.constant 0 : i32
      %dma_wait3A_153 = arith.constant 0 : i32
      %dma_wait3A_154 = tpu.memref_slice %arg7[%dma_wait3A_152, %dma_wait3A_153] : memref<159x64xi32, #tpu.memory_space<vmem>> -> memref<1x64xi32, #tpu.memory_space<vmem>>
      %dma_wait3A_155 = tpu.memref_squeeze %dma_wait3A_154 : memref<1x64xi32, #tpu.memory_space<vmem>> -> memref<64xi32, #tpu.memory_space<vmem>>
      %dma_wait3A_156 = arith.constant 0 : i32
      %dma_wait3A_157 = arith.constant 0 : i32
      %dma_wait3A_158 = tpu.memref_slice %arg4[%dma_wait3A_156, %dma_wait3A_157] : memref<61440x128xf32, #tpu.memory_space<hbm>> -> memref<61440x128xf32, #tpu.memory_space<hbm>>
      tpu.wait_indirect_dma semaphore(%arg17 : memref<!tpu.dma_semaphore, #tpu.memory_space<semaphore_mem>>) src(%dma_wait3A_158 : memref<61440x128xf32, #tpu.memory_space<hbm>>) dst(%arg13 : memref<64x128xf32, #tpu.memory_space<vmem>>)
      %dma_wait3A_159 = arith.constant 0 : i32
      %dma_wait3A_160 = arith.constant 0 : i32
      %dma_wait3A_161 = tpu.memref_slice %arg3[%add3A, %dma_wait3A_159, %dma_wait3A_160] : memref<32x159x64xi32, #tpu.memory_space<hbm>> -> memref<1x1x64xi32, #tpu.memory_space<hbm>>
      %dma_wait3A_162 = tpu.memref_squeeze %dma_wait3A_161 : memref<1x1x64xi32, #tpu.memory_space<hbm>> -> memref<64xi32, #tpu.memory_space<hbm>>
      %dma_wait3A_163 = arith.constant 0 : i32
      %dma_wait3A_164 = tpu.memref_slice %arg3[%add3A, %dma_wait3A_159, %dma_wait3A_163] : memref<32x159x64xi32, #tpu.memory_space<hbm>> -> memref<1x1x64xi32, #tpu.memory_space<hbm>>
      %dma_wait3A_165 = tpu.memref_squeeze %dma_wait3A_164 : memref<1x1x64xi32, #tpu.memory_space<hbm>> -> memref<64xi32, #tpu.memory_space<hbm>>
      tpu.wait_dma2 semaphore(%arg20 : memref<!tpu.dma_semaphore, #tpu.memory_space<semaphore_mem>>) src(%dma_wait3A_165 : memref<64xi32, #tpu.memory_space<hbm>>) dst(%arg10 : memref<64xi32, #tpu.memory_space<vmem>>)
      %dma_start3A_166 = arith.constant 0 : i32
      %dma_start3A_167 = arith.constant 0 : i32
      %dma_start3A_168 = tpu.memref_slice %arg14[%dma_start3A_166, %dma_start3A_167] : memref<10240x128xf32, #tpu.memory_space<vmem_shared>> -> memref<10240x128xf32, #tpu.memory_space<vmem_shared>>
      tpu.enqueue_indirect_dma source(%arg13 : memref<64x128xf32, #tpu.memory_space<vmem>>) target(%dma_start3A_168 : memref<10240x128xf32, #tpu.memory_space<vmem_shared>>) offsets(%arg10 : memref<64xi32, #tpu.memory_space<vmem>>) semaphore(%arg23 : memref<!tpu.dma_semaphore, #tpu.memory_space<semaphore_mem>>) {add = true}
      %dma_wait3A_169 = arith.constant 0 : i32
      %dma_wait3A_170 = arith.constant 0 : i32
      %dma_wait3A_171 = tpu.memref_slice %arg14[%dma_wait3A_169, %dma_wait3A_170] : memref<10240x128xf32, #tpu.memory_space<vmem_shared>> -> memref<10240x128xf32, #tpu.memory_space<vmem_shared>>
      tpu.wait_indirect_dma semaphore(%arg21 : memref<!tpu.dma_semaphore, #tpu.memory_space<semaphore_mem>>) src(%arg11 : memref<64x128xf32, #tpu.memory_space<vmem>>) dst(%dma_wait3A_171 : memref<10240x128xf32, #tpu.memory_space<vmem_shared>>)
      %mul3A_172 = arith.constant 3 : i32
      %mul3A_173 = arith.muli %while3A_117, %mul3A_172 : i32
      %add3A_174 = arith.constant 3 : i32
      %add3A_175 = arith.addi %mul3A_173, %add3A_174 : i32
      %add3A_176 = arith.constant 0 : i32
      %add3A_177 = arith.addi %add3A_175, %add3A_176 : i32
      %dma_start3A_178 = arith.constant 0 : i32
      %dma_start3A_179 = tpu.memref_slice %arg7[%add3A_177, %dma_start3A_178] : memref<159x64xi32, #tpu.memory_space<vmem>> -> memref<1x64xi32, #tpu.memory_space<vmem>>
      %dma_start3A_180 = tpu.memref_squeeze %dma_start3A_179 : memref<1x64xi32, #tpu.memory_space<vmem>> -> memref<64xi32, #tpu.memory_space<vmem>>
      %dma_start3A_181 = arith.constant 0 : i32
      %dma_start3A_182 = arith.constant 0 : i32
      %dma_start3A_183 = tpu.memref_slice %arg4[%dma_start3A_181, %dma_start3A_182] : memref<61440x128xf32, #tpu.memory_space<hbm>> -> memref<61440x128xf32, #tpu.memory_space<hbm>>
      tpu.enqueue_indirect_dma source(%dma_start3A_183 : memref<61440x128xf32, #tpu.memory_space<hbm>>) target(%arg11 : memref<64x128xf32, #tpu.memory_space<vmem>>) offsets(%dma_start3A_180 : memref<64xi32, #tpu.memory_space<vmem>>) semaphore(%arg15 : memref<!tpu.dma_semaphore, #tpu.memory_space<semaphore_mem>>)
      %dma_start3A_184 = arith.constant 0 : i32
      %dma_start3A_185 = tpu.memref_slice %arg3[%add3A, %add3A_177, %dma_start3A_184] : memref<32x159x64xi32, #tpu.memory_space<hbm>> -> memref<1x1x64xi32, #tpu.memory_space<hbm>>
      %dma_start3A_186 = tpu.memref_squeeze %dma_start3A_185 : memref<1x1x64xi32, #tpu.memory_space<hbm>> -> memref<64xi32, #tpu.memory_space<hbm>>
      %dma_start3A_187 = arith.constant 0 : i32
      %dma_start3A_188 = tpu.memref_slice %arg3[%add3A, %add3A_177, %dma_start3A_187] : memref<32x159x64xi32, #tpu.memory_space<hbm>> -> memref<1x1x64xi32, #tpu.memory_space<hbm>>
      %dma_start3A_189 = tpu.memref_squeeze %dma_start3A_188 : memref<1x1x64xi32, #tpu.memory_space<hbm>> -> memref<64xi32, #tpu.memory_space<hbm>>
      tpu.enqueue_dma source(%dma_start3A_189 : memref<64xi32, #tpu.memory_space<hbm>>) target(%arg8 : memref<64xi32, #tpu.memory_space<vmem>>) target_semaphore(%arg18 : memref<!tpu.dma_semaphore, #tpu.memory_space<semaphore_mem>>)
      %dma_wait3A_190 = arith.constant 0 : i32
      %dma_wait3A_191 = arith.constant 0 : i32
      %dma_wait3A_192 = tpu.memref_slice %arg14[%dma_wait3A_190, %dma_wait3A_191] : memref<10240x128xf32, #tpu.memory_space<vmem_shared>> -> memref<10240x128xf32, #tpu.memory_space<vmem_shared>>
      tpu.wait_indirect_dma semaphore(%arg22 : memref<!tpu.dma_semaphore, #tpu.memory_space<semaphore_mem>>) src(%arg12 : memref<64x128xf32, #tpu.memory_space<vmem>>) dst(%dma_wait3A_192 : memref<10240x128xf32, #tpu.memory_space<vmem_shared>>)
      %mul3A_193 = arith.constant 3 : i32
      %mul3A_194 = arith.muli %while3A_117, %mul3A_193 : i32
      %add3A_195 = arith.constant 3 : i32
      %add3A_196 = arith.addi %mul3A_194, %add3A_195 : i32
      %add3A_197 = arith.constant 1 : i32
      %add3A_198 = arith.addi %add3A_196, %add3A_197 : i32
      %dma_start3A_199 = arith.constant 0 : i32
      %dma_start3A_200 = tpu.memref_slice %arg7[%add3A_198, %dma_start3A_199] : memref<159x64xi32, #tpu.memory_space<vmem>> -> memref<1x64xi32, #tpu.memory_space<vmem>>
      %dma_start3A_201 = tpu.memref_squeeze %dma_start3A_200 : memref<1x64xi32, #tpu.memory_space<vmem>> -> memref<64xi32, #tpu.memory_space<vmem>>
      %dma_start3A_202 = arith.constant 0 : i32
      %dma_start3A_203 = arith.constant 0 : i32
      %dma_start3A_204 = tpu.memref_slice %arg4[%dma_start3A_202, %dma_start3A_203] : memref<61440x128xf32, #tpu.memory_space<hbm>> -> memref<61440x128xf32, #tpu.memory_space<hbm>>
      tpu.enqueue_indirect_dma source(%dma_start3A_204 : memref<61440x128xf32, #tpu.memory_space<hbm>>) target(%arg12 : memref<64x128xf32, #tpu.memory_space<vmem>>) offsets(%dma_start3A_201 : memref<64xi32, #tpu.memory_space<vmem>>) semaphore(%arg16 : memref<!tpu.dma_semaphore, #tpu.memory_space<semaphore_mem>>)
      %dma_start3A_205 = arith.constant 0 : i32
      %dma_start3A_206 = tpu.memref_slice %arg3[%add3A, %add3A_198, %dma_start3A_205] : memref<32x159x64xi32, #tpu.memory_space<hbm>> -> memref<1x1x64xi32, #tpu.memory_space<hbm>>
      %dma_start3A_207 = tpu.memref_squeeze %dma_start3A_206 : memref<1x1x64xi32, #tpu.memory_space<hbm>> -> memref<64xi32, #tpu.memory_space<hbm>>
      %dma_start3A_208 = arith.constant 0 : i32
      %dma_start3A_209 = tpu.memref_slice %arg3[%add3A, %add3A_198, %dma_start3A_208] : memref<32x159x64xi32, #tpu.memory_space<hbm>> -> memref<1x1x64xi32, #tpu.memory_space<hbm>>
      %dma_start3A_210 = tpu.memref_squeeze %dma_start3A_209 : memref<1x1x64xi32, #tpu.memory_space<hbm>> -> memref<64xi32, #tpu.memory_space<hbm>>
      tpu.enqueue_dma source(%dma_start3A_210 : memref<64xi32, #tpu.memory_space<hbm>>) target(%arg9 : memref<64xi32, #tpu.memory_space<vmem>>) target_semaphore(%arg19 : memref<!tpu.dma_semaphore, #tpu.memory_space<semaphore_mem>>)
      %dma_wait3A_211 = arith.constant 0 : i32
      %dma_wait3A_212 = arith.constant 0 : i32
      %dma_wait3A_213 = tpu.memref_slice %arg14[%dma_wait3A_211, %dma_wait3A_212] : memref<10240x128xf32, #tpu.memory_space<vmem_shared>> -> memref<10240x128xf32, #tpu.memory_space<vmem_shared>>
      tpu.wait_indirect_dma semaphore(%arg23 : memref<!tpu.dma_semaphore, #tpu.memory_space<semaphore_mem>>) src(%arg13 : memref<64x128xf32, #tpu.memory_space<vmem>>) dst(%dma_wait3A_213 : memref<10240x128xf32, #tpu.memory_space<vmem_shared>>)
      %mul3A_214 = arith.constant 3 : i32
      %mul3A_215 = arith.muli %while3A_117, %mul3A_214 : i32
      %add3A_216 = arith.constant 3 : i32
      %add3A_217 = arith.addi %mul3A_215, %add3A_216 : i32
      %add3A_218 = arith.constant 2 : i32
      %add3A_219 = arith.addi %add3A_217, %add3A_218 : i32
      %dma_start3A_220 = arith.constant 0 : i32
      %dma_start3A_221 = tpu.memref_slice %arg7[%add3A_219, %dma_start3A_220] : memref<159x64xi32, #tpu.memory_space<vmem>> -> memref<1x64xi32, #tpu.memory_space<vmem>>
      %dma_start3A_222 = tpu.memref_squeeze %dma_start3A_221 : memref<1x64xi32, #tpu.memory_space<vmem>> -> memref<64xi32, #tpu.memory_space<vmem>>
      %dma_start3A_223 = arith.constant 0 : i32
      %dma_start3A_224 = arith.constant 0 : i32
      %dma_start3A_225 = tpu.memref_slice %arg4[%dma_start3A_223, %dma_start3A_224] : memref<61440x128xf32, #tpu.memory_space<hbm>> -> memref<61440x128xf32, #tpu.memory_space<hbm>>
      tpu.enqueue_indirect_dma source(%dma_start3A_225 : memref<61440x128xf32, #tpu.memory_space<hbm>>) target(%arg13 : memref<64x128xf32, #tpu.memory_space<vmem>>) offsets(%dma_start3A_222 : memref<64xi32, #tpu.memory_space<vmem>>) semaphore(%arg17 : memref<!tpu.dma_semaphore, #tpu.memory_space<semaphore_mem>>)
      %dma_start3A_226 = arith.constant 0 : i32
      %dma_start3A_227 = tpu.memref_slice %arg3[%add3A, %add3A_219, %dma_start3A_226] : memref<32x159x64xi32, #tpu.memory_space<hbm>> -> memref<1x1x64xi32, #tpu.memory_space<hbm>>
      %dma_start3A_228 = tpu.memref_squeeze %dma_start3A_227 : memref<1x1x64xi32, #tpu.memory_space<hbm>> -> memref<64xi32, #tpu.memory_space<hbm>>
      %dma_start3A_229 = arith.constant 0 : i32
      %dma_start3A_230 = tpu.memref_slice %arg3[%add3A, %add3A_219, %dma_start3A_229] : memref<32x159x64xi32, #tpu.memory_space<hbm>> -> memref<1x1x64xi32, #tpu.memory_space<hbm>>
      %dma_start3A_231 = tpu.memref_squeeze %dma_start3A_230 : memref<1x1x64xi32, #tpu.memory_space<hbm>> -> memref<64xi32, #tpu.memory_space<hbm>>
      tpu.enqueue_dma source(%dma_start3A_231 : memref<64xi32, #tpu.memory_space<hbm>>) target(%arg10 : memref<64xi32, #tpu.memory_space<vmem>>) target_semaphore(%arg20 : memref<!tpu.dma_semaphore, #tpu.memory_space<semaphore_mem>>)
    }
    %dma_wait3A = arith.constant 0 : i32
    %dma_wait3A_54 = arith.constant 0 : i32
    %dma_wait3A_55 = tpu.memref_slice %arg7[%dma_wait3A, %dma_wait3A_54] : memref<159x64xi32, #tpu.memory_space<vmem>> -> memref<1x64xi32, #tpu.memory_space<vmem>>
    %dma_wait3A_56 = tpu.memref_squeeze %dma_wait3A_55 : memref<1x64xi32, #tpu.memory_space<vmem>> -> memref<64xi32, #tpu.memory_space<vmem>>
    %dma_wait3A_57 = arith.constant 0 : i32
    %dma_wait3A_58 = arith.constant 0 : i32
    %dma_wait3A_59 = tpu.memref_slice %arg4[%dma_wait3A_57, %dma_wait3A_58] : memref<61440x128xf32, #tpu.memory_space<hbm>> -> memref<61440x128xf32, #tpu.memory_space<hbm>>
    tpu.wait_indirect_dma semaphore(%arg15 : memref<!tpu.dma_semaphore, #tpu.memory_space<semaphore_mem>>) src(%dma_wait3A_59 : memref<61440x128xf32, #tpu.memory_space<hbm>>) dst(%arg11 : memref<64x128xf32, #tpu.memory_space<vmem>>)
    %dma_wait3A_60 = arith.constant 0 : i32
    %dma_wait3A_61 = arith.constant 0 : i32
    %dma_wait3A_62 = tpu.memref_slice %arg3[%add3A, %dma_wait3A_60, %dma_wait3A_61] : memref<32x159x64xi32, #tpu.memory_space<hbm>> -> memref<1x1x64xi32, #tpu.memory_space<hbm>>
    %dma_wait3A_63 = tpu.memref_squeeze %dma_wait3A_62 : memref<1x1x64xi32, #tpu.memory_space<hbm>> -> memref<64xi32, #tpu.memory_space<hbm>>
    %dma_wait3A_64 = arith.constant 0 : i32
    %dma_wait3A_65 = tpu.memref_slice %arg3[%add3A, %dma_wait3A_60, %dma_wait3A_64] : memref<32x159x64xi32, #tpu.memory_space<hbm>> -> memref<1x1x64xi32, #tpu.memory_space<hbm>>
    %dma_wait3A_66 = tpu.memref_squeeze %dma_wait3A_65 : memref<1x1x64xi32, #tpu.memory_space<hbm>> -> memref<64xi32, #tpu.memory_space<hbm>>
    tpu.wait_dma2 semaphore(%arg18 : memref<!tpu.dma_semaphore, #tpu.memory_space<semaphore_mem>>) src(%dma_wait3A_66 : memref<64xi32, #tpu.memory_space<hbm>>) dst(%arg8 : memref<64xi32, #tpu.memory_space<vmem>>)
    %dma_start3A_67 = arith.constant 0 : i32
    %dma_start3A_68 = arith.constant 0 : i32
    %dma_start3A_69 = tpu.memref_slice %arg14[%dma_start3A_67, %dma_start3A_68] : memref<10240x128xf32, #tpu.memory_space<vmem_shared>> -> memref<10240x128xf32, #tpu.memory_space<vmem_shared>>
    tpu.enqueue_indirect_dma source(%arg11 : memref<64x128xf32, #tpu.memory_space<vmem>>) target(%dma_start3A_69 : memref<10240x128xf32, #tpu.memory_space<vmem_shared>>) offsets(%arg8 : memref<64xi32, #tpu.memory_space<vmem>>) semaphore(%arg21 : memref<!tpu.dma_semaphore, #tpu.memory_space<semaphore_mem>>) {add = true}
    %dma_wait3A_70 = arith.constant 0 : i32
    %dma_wait3A_71 = arith.constant 0 : i32
    %dma_wait3A_72 = tpu.memref_slice %arg7[%dma_wait3A_70, %dma_wait3A_71] : memref<159x64xi32, #tpu.memory_space<vmem>> -> memref<1x64xi32, #tpu.memory_space<vmem>>
    %dma_wait3A_73 = tpu.memref_squeeze %dma_wait3A_72 : memref<1x64xi32, #tpu.memory_space<vmem>> -> memref<64xi32, #tpu.memory_space<vmem>>
    %dma_wait3A_74 = arith.constant 0 : i32
    %dma_wait3A_75 = arith.constant 0 : i32
    %dma_wait3A_76 = tpu.memref_slice %arg4[%dma_wait3A_74, %dma_wait3A_75] : memref<61440x128xf32, #tpu.memory_space<hbm>> -> memref<61440x128xf32, #tpu.memory_space<hbm>>
    tpu.wait_indirect_dma semaphore(%arg16 : memref<!tpu.dma_semaphore, #tpu.memory_space<semaphore_mem>>) src(%dma_wait3A_76 : memref<61440x128xf32, #tpu.memory_space<hbm>>) dst(%arg12 : memref<64x128xf32, #tpu.memory_space<vmem>>)
    %dma_wait3A_77 = arith.constant 0 : i32
    %dma_wait3A_78 = arith.constant 0 : i32
    %dma_wait3A_79 = tpu.memref_slice %arg3[%add3A, %dma_wait3A_77, %dma_wait3A_78] : memref<32x159x64xi32, #tpu.memory_space<hbm>> -> memref<1x1x64xi32, #tpu.memory_space<hbm>>
    %dma_wait3A_80 = tpu.memref_squeeze %dma_wait3A_79 : memref<1x1x64xi32, #tpu.memory_space<hbm>> -> memref<64xi32, #tpu.memory_space<hbm>>
    %dma_wait3A_81 = arith.constant 0 : i32
    %dma_wait3A_82 = tpu.memref_slice %arg3[%add3A, %dma_wait3A_77, %dma_wait3A_81] : memref<32x159x64xi32, #tpu.memory_space<hbm>> -> memref<1x1x64xi32, #tpu.memory_space<hbm>>
    %dma_wait3A_83 = tpu.memref_squeeze %dma_wait3A_82 : memref<1x1x64xi32, #tpu.memory_space<hbm>> -> memref<64xi32, #tpu.memory_space<hbm>>
    tpu.wait_dma2 semaphore(%arg19 : memref<!tpu.dma_semaphore, #tpu.memory_space<semaphore_mem>>) src(%dma_wait3A_83 : memref<64xi32, #tpu.memory_space<hbm>>) dst(%arg9 : memref<64xi32, #tpu.memory_space<vmem>>)
    %dma_start3A_84 = arith.constant 0 : i32
    %dma_start3A_85 = arith.constant 0 : i32
    %dma_start3A_86 = tpu.memref_slice %arg14[%dma_start3A_84, %dma_start3A_85] : memref<10240x128xf32, #tpu.memory_space<vmem_shared>> -> memref<10240x128xf32, #tpu.memory_space<vmem_shared>>
    tpu.enqueue_indirect_dma source(%arg12 : memref<64x128xf32, #tpu.memory_space<vmem>>) target(%dma_start3A_86 : memref<10240x128xf32, #tpu.memory_space<vmem_shared>>) offsets(%arg9 : memref<64xi32, #tpu.memory_space<vmem>>) semaphore(%arg22 : memref<!tpu.dma_semaphore, #tpu.memory_space<semaphore_mem>>) {add = true}
    %dma_wait3A_87 = arith.constant 0 : i32
    %dma_wait3A_88 = arith.constant 0 : i32
    %dma_wait3A_89 = tpu.memref_slice %arg7[%dma_wait3A_87, %dma_wait3A_88] : memref<159x64xi32, #tpu.memory_space<vmem>> -> memref<1x64xi32, #tpu.memory_space<vmem>>
    %dma_wait3A_90 = tpu.memref_squeeze %dma_wait3A_89 : memref<1x64xi32, #tpu.memory_space<vmem>> -> memref<64xi32, #tpu.memory_space<vmem>>
    %dma_wait3A_91 = arith.constant 0 : i32
    %dma_wait3A_92 = arith.constant 0 : i32
    %dma_wait3A_93 = tpu.memref_slice %arg4[%dma_wait3A_91, %dma_wait3A_92] : memref<61440x128xf32, #tpu.memory_space<hbm>> -> memref<61440x128xf32, #tpu.memory_space<hbm>>
    tpu.wait_indirect_dma semaphore(%arg17 : memref<!tpu.dma_semaphore, #tpu.memory_space<semaphore_mem>>) src(%dma_wait3A_93 : memref<61440x128xf32, #tpu.memory_space<hbm>>) dst(%arg13 : memref<64x128xf32, #tpu.memory_space<vmem>>)
    %dma_wait3A_94 = arith.constant 0 : i32
    %dma_wait3A_95 = arith.constant 0 : i32
    %dma_wait3A_96 = tpu.memref_slice %arg3[%add3A, %dma_wait3A_94, %dma_wait3A_95] : memref<32x159x64xi32, #tpu.memory_space<hbm>> -> memref<1x1x64xi32, #tpu.memory_space<hbm>>
    %dma_wait3A_97 = tpu.memref_squeeze %dma_wait3A_96 : memref<1x1x64xi32, #tpu.memory_space<hbm>> -> memref<64xi32, #tpu.memory_space<hbm>>
    %dma_wait3A_98 = arith.constant 0 : i32
    %dma_wait3A_99 = tpu.memref_slice %arg3[%add3A, %dma_wait3A_94, %dma_wait3A_98] : memref<32x159x64xi32, #tpu.memory_space<hbm>> -> memref<1x1x64xi32, #tpu.memory_space<hbm>>
    %dma_wait3A_100 = tpu.memref_squeeze %dma_wait3A_99 : memref<1x1x64xi32, #tpu.memory_space<hbm>> -> memref<64xi32, #tpu.memory_space<hbm>>
    tpu.wait_dma2 semaphore(%arg20 : memref<!tpu.dma_semaphore, #tpu.memory_space<semaphore_mem>>) src(%dma_wait3A_100 : memref<64xi32, #tpu.memory_space<hbm>>) dst(%arg10 : memref<64xi32, #tpu.memory_space<vmem>>)
    %dma_start3A_101 = arith.constant 0 : i32
    %dma_start3A_102 = arith.constant 0 : i32
    %dma_start3A_103 = tpu.memref_slice %arg14[%dma_start3A_101, %dma_start3A_102] : memref<10240x128xf32, #tpu.memory_space<vmem_shared>> -> memref<10240x128xf32, #tpu.memory_space<vmem_shared>>
    tpu.enqueue_indirect_dma source(%arg13 : memref<64x128xf32, #tpu.memory_space<vmem>>) target(%dma_start3A_103 : memref<10240x128xf32, #tpu.memory_space<vmem_shared>>) offsets(%arg10 : memref<64xi32, #tpu.memory_space<vmem>>) semaphore(%arg23 : memref<!tpu.dma_semaphore, #tpu.memory_space<semaphore_mem>>) {add = true}
    %dma_wait3A_104 = arith.constant 0 : i32
    %dma_wait3A_105 = arith.constant 0 : i32
    %dma_wait3A_106 = tpu.memref_slice %arg14[%dma_wait3A_104, %dma_wait3A_105] : memref<10240x128xf32, #tpu.memory_space<vmem_shared>> -> memref<10240x128xf32, #tpu.memory_space<vmem_shared>>
    tpu.wait_indirect_dma semaphore(%arg21 : memref<!tpu.dma_semaphore, #tpu.memory_space<semaphore_mem>>) src(%arg11 : memref<64x128xf32, #tpu.memory_space<vmem>>) dst(%dma_wait3A_106 : memref<10240x128xf32, #tpu.memory_space<vmem_shared>>)
    %dma_wait3A_107 = arith.constant 0 : i32
    %dma_wait3A_108 = arith.constant 0 : i32
    %dma_wait3A_109 = tpu.memref_slice %arg14[%dma_wait3A_107, %dma_wait3A_108] : memref<10240x128xf32, #tpu.memory_space<vmem_shared>> -> memref<10240x128xf32, #tpu.memory_space<vmem_shared>>
    tpu.wait_indirect_dma semaphore(%arg22 : memref<!tpu.dma_semaphore, #tpu.memory_space<semaphore_mem>>) src(%arg12 : memref<64x128xf32, #tpu.memory_space<vmem>>) dst(%dma_wait3A_109 : memref<10240x128xf32, #tpu.memory_space<vmem_shared>>)
    %dma_wait3A_110 = arith.constant 0 : i32
    %dma_wait3A_111 = arith.constant 0 : i32
    %dma_wait3A_112 = tpu.memref_slice %arg14[%dma_wait3A_110, %dma_wait3A_111] : memref<10240x128xf32, #tpu.memory_space<vmem_shared>> -> memref<10240x128xf32, #tpu.memory_space<vmem_shared>>
    tpu.wait_indirect_dma semaphore(%arg23 : memref<!tpu.dma_semaphore, #tpu.memory_space<semaphore_mem>>) src(%arg13 : memref<64x128xf32, #tpu.memory_space<vmem>>) dst(%dma_wait3A_112 : memref<10240x128xf32, #tpu.memory_space<vmem_shared>>)
    %barrier3A_113 = arith.constant 0 : index
    tpu.barrier barrier_id(%barrier3A_113)
    %mul3A_114 = arith.constant 10240 : i32
    %mul3A_115 = arith.muli %arg0, %mul3A_114 : i32
    %add3A_116 = arith.addi %mul3A_115, %mul3A_2 : i32
    "tpu.region"() ({
      %run_scoped3A = tpu.sem_alloc : memref<!tpu.dma_semaphore, #tpu.memory_space<semaphore_mem>>
      %dma_start3A_117 = arith.constant 0 : i32
      %dma_start3A_118 = tpu.memref_slice %arg6[%add3A_116, %dma_start3A_117] : memref<20480x128xf32, #tpu.memory_space<hbm>> -> memref<640x128xf32, #tpu.memory_space<hbm>>
      %dma_start3A_119 = arith.constant 0 : i32
      %dma_start3A_120 = tpu.memref_slice %arg14[%mul3A_2, %dma_start3A_119] : memref<10240x128xf32, #tpu.memory_space<vmem_shared>> -> memref<640x128xf32, #tpu.memory_space<vmem_shared>>
      tpu.enqueue_dma source(%dma_start3A_120 : memref<640x128xf32, #tpu.memory_space<vmem_shared>>) target(%dma_start3A_118 : memref<640x128xf32, #tpu.memory_space<hbm>>) target_semaphore(%run_scoped3A : memref<!tpu.dma_semaphore, #tpu.memory_space<semaphore_mem>>)
      %dma_wait3A_121 = arith.constant 0 : i32
      %dma_wait3A_122 = tpu.memref_slice %arg6[%add3A_116, %dma_wait3A_121] : memref<20480x128xf32, #tpu.memory_space<hbm>> -> memref<640x128xf32, #tpu.memory_space<hbm>>
      %dma_wait3A_123 = arith.constant 0 : i32
      %dma_wait3A_124 = tpu.memref_slice %arg14[%mul3A_2, %dma_wait3A_123] : memref<10240x128xf32, #tpu.memory_space<vmem_shared>> -> memref<640x128xf32, #tpu.memory_space<vmem_shared>>
      tpu.wait_dma2 semaphore(%run_scoped3A : memref<!tpu.dma_semaphore, #tpu.memory_space<semaphore_mem>>) src(%dma_wait3A_124 : memref<640x128xf32, #tpu.memory_space<vmem_shared>>) dst(%dma_wait3A_122 : memref<640x128xf32, #tpu.memory_space<hbm>>)
      tpu.yield
    }) : () -> ()
    return
  }
}

#map = affine_map<(d0, d1) -> (0, 0, 0)>
#map1 = affine_map<(d0, d1) -> (0, 0)>
module attributes {stable_mosaic.version = 14 : i64} {
  func.func @_sc_edge_accumulate(%arg0: i32, %arg1: i32, %arg2: memref<32x159x64xi32, #tpu.memory_space<hbm>>, %arg3: memref<32x159x64xi32, #tpu.memory_space<hbm>>, %arg4: memref<92160x128xf32, #tpu.memory_space<hbm>>, %arg5: memref<10240x128xf32, #tpu.memory_space<hbm>>, %arg6: memref<20480x128xf32, #tpu.memory_space<hbm>>, %arg7: memref<159x64xi32, #tpu.memory_space<vmem>>, %arg8: memref<64xi32, #tpu.memory_space<vmem>>, %arg9: memref<64xi32, #tpu.memory_space<vmem>>, %arg10: memref<64xi32, #tpu.memory_space<vmem>>, %arg11: memref<64x128xf32, #tpu.memory_space<vmem>>, %arg12: memref<64x128xf32, #tpu.memory_space<vmem>>, %arg13: memref<64x128xf32, #tpu.memory_space<vmem>>, %arg14: memref<10240x128xf32, #tpu.memory_space<vmem_shared>>, %arg15: memref<!tpu.dma_semaphore, #tpu.memory_space<semaphore_mem>>, %arg16: memref<!tpu.dma_semaphore, #tpu.memory_space<semaphore_mem>>, %arg17: memref<!tpu.dma_semaphore, #tpu.memory_space<semaphore_mem>>, %arg18: memref<!tpu.dma_semaphore, #tpu.memory_space<semaphore_mem>>, %arg19: memref<!tpu.dma_semaphore, #tpu.memory_space<semaphore_mem>>, %arg20: memref<!tpu.dma_semaphore, #tpu.memory_space<semaphore_mem>>, %arg21: memref<!tpu.dma_semaphore, #tpu.memory_space<semaphore_mem>>, %arg22: memref<!tpu.dma_semaphore, #tpu.memory_space<semaphore_mem>>, %arg23: memref<!tpu.dma_semaphore, #tpu.memory_space<semaphore_mem>>) attributes {dimension_semantics = [#tpu.dimension_semantics<core_parallel>, #tpu.dimension_semantics<subcore_parallel>], iteration_bounds = array<i64: 2, 16>, scalar_prefetch = 0 : i64, scratch_operands = 17 : i64, tpu.core_type = #tpu.core_type<sc_vector_subcore>, window_params = [{transform_indices = #map}, {transform_indices = #map}, {transform_indices = #map1}, {transform_indices = #map1}, {transform_indices = #map1}]} {
    %mul3A = arith.constant 16 : i32
    %mul3A_0 = arith.muli %arg0, %mul3A : i32
    %add3A = arith.addi %mul3A_0, %arg1 : i32
    %mul3A_1 = arith.constant 640 : i32
    %mul3A_2 = arith.muli %arg1, %mul3A_1 : i32
    "tpu.region"() ({
      %run_scoped3A = tpu.sem_alloc : memref<!tpu.dma_semaphore, #tpu.memory_space<semaphore_mem>>
      %dma_start3A_117 = arith.constant 0 : i32
      %dma_start3A_118 = tpu.memref_slice %arg14[%mul3A_2, %dma_start3A_117] : memref<10240x128xf32, #tpu.memory_space<vmem_shared>> -> memref<640x128xf32, #tpu.memory_space<vmem_shared>>
      %dma_start3A_119 = arith.constant 0 : i32
      %dma_start3A_120 = tpu.memref_slice %arg5[%mul3A_2, %dma_start3A_119] : memref<10240x128xf32, #tpu.memory_space<hbm>> -> memref<640x128xf32, #tpu.memory_space<hbm>>
      tpu.enqueue_dma source(%dma_start3A_120 : memref<640x128xf32, #tpu.memory_space<hbm>>) target(%dma_start3A_118 : memref<640x128xf32, #tpu.memory_space<vmem_shared>>) target_semaphore(%run_scoped3A : memref<!tpu.dma_semaphore, #tpu.memory_space<semaphore_mem>>)
      %dma_wait3A_121 = arith.constant 0 : i32
      %dma_wait3A_122 = tpu.memref_slice %arg14[%mul3A_2, %dma_wait3A_121] : memref<10240x128xf32, #tpu.memory_space<vmem_shared>> -> memref<640x128xf32, #tpu.memory_space<vmem_shared>>
      %dma_wait3A_123 = arith.constant 0 : i32
      %dma_wait3A_124 = tpu.memref_slice %arg5[%mul3A_2, %dma_wait3A_123] : memref<10240x128xf32, #tpu.memory_space<hbm>> -> memref<640x128xf32, #tpu.memory_space<hbm>>
      tpu.wait_dma2 semaphore(%run_scoped3A : memref<!tpu.dma_semaphore, #tpu.memory_space<semaphore_mem>>) src(%dma_wait3A_124 : memref<640x128xf32, #tpu.memory_space<hbm>>) dst(%dma_wait3A_122 : memref<640x128xf32, #tpu.memory_space<vmem_shared>>)
      tpu.yield
    }) : () -> ()
    "tpu.region"() ({
      %run_scoped3A = tpu.sem_alloc : memref<!tpu.dma_semaphore, #tpu.memory_space<semaphore_mem>>
      %dma_start3A_117 = arith.constant 0 : i32
      %dma_start3A_118 = arith.constant 0 : i32
      %dma_start3A_119 = tpu.memref_slice %arg2[%add3A, %dma_start3A_117, %dma_start3A_118] : memref<32x159x64xi32, #tpu.memory_space<hbm>> -> memref<1x159x64xi32, #tpu.memory_space<hbm>>
      %dma_start3A_120 = tpu.memref_squeeze %dma_start3A_119 : memref<1x159x64xi32, #tpu.memory_space<hbm>> -> memref<159x64xi32, #tpu.memory_space<hbm>>
      %dma_start3A_121 = arith.constant 0 : i32
      %dma_start3A_122 = arith.constant 0 : i32
      %dma_start3A_123 = tpu.memref_slice %arg2[%add3A, %dma_start3A_121, %dma_start3A_122] : memref<32x159x64xi32, #tpu.memory_space<hbm>> -> memref<1x159x64xi32, #tpu.memory_space<hbm>>
      %dma_start3A_124 = tpu.memref_squeeze %dma_start3A_123 : memref<1x159x64xi32, #tpu.memory_space<hbm>> -> memref<159x64xi32, #tpu.memory_space<hbm>>
      tpu.enqueue_dma source(%dma_start3A_124 : memref<159x64xi32, #tpu.memory_space<hbm>>) target(%arg7 : memref<159x64xi32, #tpu.memory_space<vmem>>) target_semaphore(%run_scoped3A : memref<!tpu.dma_semaphore, #tpu.memory_space<semaphore_mem>>)
      %dma_wait3A_125 = arith.constant 0 : i32
      %dma_wait3A_126 = arith.constant 0 : i32
      %dma_wait3A_127 = tpu.memref_slice %arg2[%add3A, %dma_wait3A_125, %dma_wait3A_126] : memref<32x159x64xi32, #tpu.memory_space<hbm>> -> memref<1x159x64xi32, #tpu.memory_space<hbm>>
      %dma_wait3A_128 = tpu.memref_squeeze %dma_wait3A_127 : memref<1x159x64xi32, #tpu.memory_space<hbm>> -> memref<159x64xi32, #tpu.memory_space<hbm>>
      %dma_wait3A_129 = arith.constant 0 : i32
      %dma_wait3A_130 = arith.constant 0 : i32
      %dma_wait3A_131 = tpu.memref_slice %arg2[%add3A, %dma_wait3A_129, %dma_wait3A_130] : memref<32x159x64xi32, #tpu.memory_space<hbm>> -> memref<1x159x64xi32, #tpu.memory_space<hbm>>
      %dma_wait3A_132 = tpu.memref_squeeze %dma_wait3A_131 : memref<1x159x64xi32, #tpu.memory_space<hbm>> -> memref<159x64xi32, #tpu.memory_space<hbm>>
      tpu.wait_dma2 semaphore(%run_scoped3A : memref<!tpu.dma_semaphore, #tpu.memory_space<semaphore_mem>>) src(%dma_wait3A_132 : memref<159x64xi32, #tpu.memory_space<hbm>>) dst(%arg7 : memref<159x64xi32, #tpu.memory_space<vmem>>)
      tpu.yield
    }) : () -> ()
    %barrier3A = arith.constant 0 : index
    tpu.barrier barrier_id(%barrier3A)
    %dma_start3A = arith.constant 0 : i32
    %dma_start3A_3 = arith.constant 0 : i32
    %dma_start3A_4 = tpu.memref_slice %arg7[%dma_start3A, %dma_start3A_3] : memref<159x64xi32, #tpu.memory_space<vmem>> -> memref<1x64xi32, #tpu.memory_space<vmem>>
    %dma_start3A_5 = tpu.memref_squeeze %dma_start3A_4 : memref<1x64xi32, #tpu.memory_space<vmem>> -> memref<64xi32, #tpu.memory_space<vmem>>
    %dma_start3A_6 = arith.constant 0 : i32
    %dma_start3A_7 = arith.constant 0 : i32
    %dma_start3A_8 = tpu.memref_slice %arg4[%dma_start3A_6, %dma_start3A_7] : memref<92160x128xf32, #tpu.memory_space<hbm>> -> memref<92160x128xf32, #tpu.memory_space<hbm>>
    tpu.enqueue_indirect_dma source(%dma_start3A_8 : memref<92160x128xf32, #tpu.memory_space<hbm>>) target(%arg11 : memref<64x128xf32, #tpu.memory_space<vmem>>) offsets(%dma_start3A_5 : memref<64xi32, #tpu.memory_space<vmem>>) semaphore(%arg15 : memref<!tpu.dma_semaphore, #tpu.memory_space<semaphore_mem>>)
    %dma_start3A_9 = arith.constant 0 : i32
    %dma_start3A_10 = arith.constant 0 : i32
    %dma_start3A_11 = tpu.memref_slice %arg3[%add3A, %dma_start3A_9, %dma_start3A_10] : memref<32x159x64xi32, #tpu.memory_space<hbm>> -> memref<1x1x64xi32, #tpu.memory_space<hbm>>
    %dma_start3A_12 = tpu.memref_squeeze %dma_start3A_11 : memref<1x1x64xi32, #tpu.memory_space<hbm>> -> memref<64xi32, #tpu.memory_space<hbm>>
    %dma_start3A_13 = arith.constant 0 : i32
    %dma_start3A_14 = tpu.memref_slice %arg3[%add3A, %dma_start3A_9, %dma_start3A_13] : memref<32x159x64xi32, #tpu.memory_space<hbm>> -> memref<1x1x64xi32, #tpu.memory_space<hbm>>
    %dma_start3A_15 = tpu.memref_squeeze %dma_start3A_14 : memref<1x1x64xi32, #tpu.memory_space<hbm>> -> memref<64xi32, #tpu.memory_space<hbm>>
    tpu.enqueue_dma source(%dma_start3A_15 : memref<64xi32, #tpu.memory_space<hbm>>) target(%arg8 : memref<64xi32, #tpu.memory_space<vmem>>) target_semaphore(%arg18 : memref<!tpu.dma_semaphore, #tpu.memory_space<semaphore_mem>>)
    %dma_start3A_16 = arith.constant 1 : i32
    %dma_start3A_17 = arith.constant 0 : i32
    %dma_start3A_18 = tpu.memref_slice %arg7[%dma_start3A_16, %dma_start3A_17] : memref<159x64xi32, #tpu.memory_space<vmem>> -> memref<1x64xi32, #tpu.memory_space<vmem>>
    %dma_start3A_19 = tpu.memref_squeeze %dma_start3A_18 : memref<1x64xi32, #tpu.memory_space<vmem>> -> memref<64xi32, #tpu.memory_space<vmem>>
    %dma_start3A_20 = arith.constant 0 : i32
    %dma_start3A_21 = arith.constant 0 : i32
    %dma_start3A_22 = tpu.memref_slice %arg4[%dma_start3A_20, %dma_start3A_21] : memref<92160x128xf32, #tpu.memory_space<hbm>> -> memref<92160x128xf32, #tpu.memory_space<hbm>>
    tpu.enqueue_indirect_dma source(%dma_start3A_22 : memref<92160x128xf32, #tpu.memory_space<hbm>>) target(%arg12 : memref<64x128xf32, #tpu.memory_space<vmem>>) offsets(%dma_start3A_19 : memref<64xi32, #tpu.memory_space<vmem>>) semaphore(%arg16 : memref<!tpu.dma_semaphore, #tpu.memory_space<semaphore_mem>>)
    %dma_start3A_23 = arith.constant 1 : i32
    %dma_start3A_24 = arith.constant 0 : i32
    %dma_start3A_25 = tpu.memref_slice %arg3[%add3A, %dma_start3A_23, %dma_start3A_24] : memref<32x159x64xi32, #tpu.memory_space<hbm>> -> memref<1x1x64xi32, #tpu.memory_space<hbm>>
    %dma_start3A_26 = tpu.memref_squeeze %dma_start3A_25 : memref<1x1x64xi32, #tpu.memory_space<hbm>> -> memref<64xi32, #tpu.memory_space<hbm>>
    %dma_start3A_27 = arith.constant 0 : i32
    %dma_start3A_28 = tpu.memref_slice %arg3[%add3A, %dma_start3A_23, %dma_start3A_27] : memref<32x159x64xi32, #tpu.memory_space<hbm>> -> memref<1x1x64xi32, #tpu.memory_space<hbm>>
    %dma_start3A_29 = tpu.memref_squeeze %dma_start3A_28 : memref<1x1x64xi32, #tpu.memory_space<hbm>> -> memref<64xi32, #tpu.memory_space<hbm>>
    tpu.enqueue_dma source(%dma_start3A_29 : memref<64xi32, #tpu.memory_space<hbm>>) target(%arg9 : memref<64xi32, #tpu.memory_space<vmem>>) target_semaphore(%arg19 : memref<!tpu.dma_semaphore, #tpu.memory_space<semaphore_mem>>)
    %dma_start3A_30 = arith.constant 2 : i32
    %dma_start3A_31 = arith.constant 0 : i32
    %dma_start3A_32 = tpu.memref_slice %arg7[%dma_start3A_30, %dma_start3A_31] : memref<159x64xi32, #tpu.memory_space<vmem>> -> memref<1x64xi32, #tpu.memory_space<vmem>>
    %dma_start3A_33 = tpu.memref_squeeze %dma_start3A_32 : memref<1x64xi32, #tpu.memory_space<vmem>> -> memref<64xi32, #tpu.memory_space<vmem>>
    %dma_start3A_34 = arith.constant 0 : i32
    %dma_start3A_35 = arith.constant 0 : i32
    %dma_start3A_36 = tpu.memref_slice %arg4[%dma_start3A_34, %dma_start3A_35] : memref<92160x128xf32, #tpu.memory_space<hbm>> -> memref<92160x128xf32, #tpu.memory_space<hbm>>
    tpu.enqueue_indirect_dma source(%dma_start3A_36 : memref<92160x128xf32, #tpu.memory_space<hbm>>) target(%arg13 : memref<64x128xf32, #tpu.memory_space<vmem>>) offsets(%dma_start3A_33 : memref<64xi32, #tpu.memory_space<vmem>>) semaphore(%arg17 : memref<!tpu.dma_semaphore, #tpu.memory_space<semaphore_mem>>)
    %dma_start3A_37 = arith.constant 2 : i32
    %dma_start3A_38 = arith.constant 0 : i32
    %dma_start3A_39 = tpu.memref_slice %arg3[%add3A, %dma_start3A_37, %dma_start3A_38] : memref<32x159x64xi32, #tpu.memory_space<hbm>> -> memref<1x1x64xi32, #tpu.memory_space<hbm>>
    %dma_start3A_40 = tpu.memref_squeeze %dma_start3A_39 : memref<1x1x64xi32, #tpu.memory_space<hbm>> -> memref<64xi32, #tpu.memory_space<hbm>>
    %dma_start3A_41 = arith.constant 0 : i32
    %dma_start3A_42 = tpu.memref_slice %arg3[%add3A, %dma_start3A_37, %dma_start3A_41] : memref<32x159x64xi32, #tpu.memory_space<hbm>> -> memref<1x1x64xi32, #tpu.memory_space<hbm>>
    %dma_start3A_43 = tpu.memref_squeeze %dma_start3A_42 : memref<1x1x64xi32, #tpu.memory_space<hbm>> -> memref<64xi32, #tpu.memory_space<hbm>>
    tpu.enqueue_dma source(%dma_start3A_43 : memref<64xi32, #tpu.memory_space<hbm>>) target(%arg10 : memref<64xi32, #tpu.memory_space<vmem>>) target_semaphore(%arg20 : memref<!tpu.dma_semaphore, #tpu.memory_space<semaphore_mem>>)
    %while3A = arith.constant 0 : i32
    %while3A_44 = arith.constant 0 : i32
    %while3A_45 = arith.constant 52 : i32
    %while3A_46 = arith.subi %while3A_45, %while3A_44 : i32
    %while3A_47 = arith.addi %while3A_44, %while3A_46 : i32
    %while3A_48 = arith.constant 1 : i32
    %while3A_49 = arith.divsi %while3A_46, %while3A_48 : i32
    %while3A_50 = arith.muli %while3A_49, %while3A_48 : i32
    %while3A_51 = arith.addi %while3A_44, %while3A_50 : i32
    %while3A_52 = arith.constant 1 : i32
    scf.for %while3A_117 = %while3A_44 to %while3A_51 step %while3A_52  : i32 {
      %dma_wait3A_118 = arith.constant 0 : i32
      %dma_wait3A_119 = arith.constant 0 : i32
      %dma_wait3A_120 = tpu.memref_slice %arg7[%dma_wait3A_118, %dma_wait3A_119] : memref<159x64xi32, #tpu.memory_space<vmem>> -> memref<1x64xi32, #tpu.memory_space<vmem>>
      %dma_wait3A_121 = tpu.memref_squeeze %dma_wait3A_120 : memref<1x64xi32, #tpu.memory_space<vmem>> -> memref<64xi32, #tpu.memory_space<vmem>>
      %dma_wait3A_122 = arith.constant 0 : i32
      %dma_wait3A_123 = arith.constant 0 : i32
      %dma_wait3A_124 = tpu.memref_slice %arg4[%dma_wait3A_122, %dma_wait3A_123] : memref<92160x128xf32, #tpu.memory_space<hbm>> -> memref<92160x128xf32, #tpu.memory_space<hbm>>
      tpu.wait_indirect_dma semaphore(%arg15 : memref<!tpu.dma_semaphore, #tpu.memory_space<semaphore_mem>>) src(%dma_wait3A_124 : memref<92160x128xf32, #tpu.memory_space<hbm>>) dst(%arg11 : memref<64x128xf32, #tpu.memory_space<vmem>>)
      %dma_wait3A_125 = arith.constant 0 : i32
      %dma_wait3A_126 = arith.constant 0 : i32
      %dma_wait3A_127 = tpu.memref_slice %arg3[%add3A, %dma_wait3A_125, %dma_wait3A_126] : memref<32x159x64xi32, #tpu.memory_space<hbm>> -> memref<1x1x64xi32, #tpu.memory_space<hbm>>
      %dma_wait3A_128 = tpu.memref_squeeze %dma_wait3A_127 : memref<1x1x64xi32, #tpu.memory_space<hbm>> -> memref<64xi32, #tpu.memory_space<hbm>>
      %dma_wait3A_129 = arith.constant 0 : i32
      %dma_wait3A_130 = tpu.memref_slice %arg3[%add3A, %dma_wait3A_125, %dma_wait3A_129] : memref<32x159x64xi32, #tpu.memory_space<hbm>> -> memref<1x1x64xi32, #tpu.memory_space<hbm>>
      %dma_wait3A_131 = tpu.memref_squeeze %dma_wait3A_130 : memref<1x1x64xi32, #tpu.memory_space<hbm>> -> memref<64xi32, #tpu.memory_space<hbm>>
      tpu.wait_dma2 semaphore(%arg18 : memref<!tpu.dma_semaphore, #tpu.memory_space<semaphore_mem>>) src(%dma_wait3A_131 : memref<64xi32, #tpu.memory_space<hbm>>) dst(%arg8 : memref<64xi32, #tpu.memory_space<vmem>>)
      %dma_start3A_132 = arith.constant 0 : i32
      %dma_start3A_133 = arith.constant 0 : i32
      %dma_start3A_134 = tpu.memref_slice %arg14[%dma_start3A_132, %dma_start3A_133] : memref<10240x128xf32, #tpu.memory_space<vmem_shared>> -> memref<10240x128xf32, #tpu.memory_space<vmem_shared>>
      tpu.enqueue_indirect_dma source(%arg11 : memref<64x128xf32, #tpu.memory_space<vmem>>) target(%dma_start3A_134 : memref<10240x128xf32, #tpu.memory_space<vmem_shared>>) offsets(%arg8 : memref<64xi32, #tpu.memory_space<vmem>>) semaphore(%arg21 : memref<!tpu.dma_semaphore, #tpu.memory_space<semaphore_mem>>) {add = true}
      %dma_wait3A_135 = arith.constant 0 : i32
      %dma_wait3A_136 = arith.constant 0 : i32
      %dma_wait3A_137 = tpu.memref_slice %arg7[%dma_wait3A_135, %dma_wait3A_136] : memref<159x64xi32, #tpu.memory_space<vmem>> -> memref<1x64xi32, #tpu.memory_space<vmem>>
      %dma_wait3A_138 = tpu.memref_squeeze %dma_wait3A_137 : memref<1x64xi32, #tpu.memory_space<vmem>> -> memref<64xi32, #tpu.memory_space<vmem>>
      %dma_wait3A_139 = arith.constant 0 : i32
      %dma_wait3A_140 = arith.constant 0 : i32
      %dma_wait3A_141 = tpu.memref_slice %arg4[%dma_wait3A_139, %dma_wait3A_140] : memref<92160x128xf32, #tpu.memory_space<hbm>> -> memref<92160x128xf32, #tpu.memory_space<hbm>>
      tpu.wait_indirect_dma semaphore(%arg16 : memref<!tpu.dma_semaphore, #tpu.memory_space<semaphore_mem>>) src(%dma_wait3A_141 : memref<92160x128xf32, #tpu.memory_space<hbm>>) dst(%arg12 : memref<64x128xf32, #tpu.memory_space<vmem>>)
      %dma_wait3A_142 = arith.constant 0 : i32
      %dma_wait3A_143 = arith.constant 0 : i32
      %dma_wait3A_144 = tpu.memref_slice %arg3[%add3A, %dma_wait3A_142, %dma_wait3A_143] : memref<32x159x64xi32, #tpu.memory_space<hbm>> -> memref<1x1x64xi32, #tpu.memory_space<hbm>>
      %dma_wait3A_145 = tpu.memref_squeeze %dma_wait3A_144 : memref<1x1x64xi32, #tpu.memory_space<hbm>> -> memref<64xi32, #tpu.memory_space<hbm>>
      %dma_wait3A_146 = arith.constant 0 : i32
      %dma_wait3A_147 = tpu.memref_slice %arg3[%add3A, %dma_wait3A_142, %dma_wait3A_146] : memref<32x159x64xi32, #tpu.memory_space<hbm>> -> memref<1x1x64xi32, #tpu.memory_space<hbm>>
      %dma_wait3A_148 = tpu.memref_squeeze %dma_wait3A_147 : memref<1x1x64xi32, #tpu.memory_space<hbm>> -> memref<64xi32, #tpu.memory_space<hbm>>
      tpu.wait_dma2 semaphore(%arg19 : memref<!tpu.dma_semaphore, #tpu.memory_space<semaphore_mem>>) src(%dma_wait3A_148 : memref<64xi32, #tpu.memory_space<hbm>>) dst(%arg9 : memref<64xi32, #tpu.memory_space<vmem>>)
      %dma_start3A_149 = arith.constant 0 : i32
      %dma_start3A_150 = arith.constant 0 : i32
      %dma_start3A_151 = tpu.memref_slice %arg14[%dma_start3A_149, %dma_start3A_150] : memref<10240x128xf32, #tpu.memory_space<vmem_shared>> -> memref<10240x128xf32, #tpu.memory_space<vmem_shared>>
      tpu.enqueue_indirect_dma source(%arg12 : memref<64x128xf32, #tpu.memory_space<vmem>>) target(%dma_start3A_151 : memref<10240x128xf32, #tpu.memory_space<vmem_shared>>) offsets(%arg9 : memref<64xi32, #tpu.memory_space<vmem>>) semaphore(%arg22 : memref<!tpu.dma_semaphore, #tpu.memory_space<semaphore_mem>>) {add = true}
      %dma_wait3A_152 = arith.constant 0 : i32
      %dma_wait3A_153 = arith.constant 0 : i32
      %dma_wait3A_154 = tpu.memref_slice %arg7[%dma_wait3A_152, %dma_wait3A_153] : memref<159x64xi32, #tpu.memory_space<vmem>> -> memref<1x64xi32, #tpu.memory_space<vmem>>
      %dma_wait3A_155 = tpu.memref_squeeze %dma_wait3A_154 : memref<1x64xi32, #tpu.memory_space<vmem>> -> memref<64xi32, #tpu.memory_space<vmem>>
      %dma_wait3A_156 = arith.constant 0 : i32
      %dma_wait3A_157 = arith.constant 0 : i32
      %dma_wait3A_158 = tpu.memref_slice %arg4[%dma_wait3A_156, %dma_wait3A_157] : memref<92160x128xf32, #tpu.memory_space<hbm>> -> memref<92160x128xf32, #tpu.memory_space<hbm>>
      tpu.wait_indirect_dma semaphore(%arg17 : memref<!tpu.dma_semaphore, #tpu.memory_space<semaphore_mem>>) src(%dma_wait3A_158 : memref<92160x128xf32, #tpu.memory_space<hbm>>) dst(%arg13 : memref<64x128xf32, #tpu.memory_space<vmem>>)
      %dma_wait3A_159 = arith.constant 0 : i32
      %dma_wait3A_160 = arith.constant 0 : i32
      %dma_wait3A_161 = tpu.memref_slice %arg3[%add3A, %dma_wait3A_159, %dma_wait3A_160] : memref<32x159x64xi32, #tpu.memory_space<hbm>> -> memref<1x1x64xi32, #tpu.memory_space<hbm>>
      %dma_wait3A_162 = tpu.memref_squeeze %dma_wait3A_161 : memref<1x1x64xi32, #tpu.memory_space<hbm>> -> memref<64xi32, #tpu.memory_space<hbm>>
      %dma_wait3A_163 = arith.constant 0 : i32
      %dma_wait3A_164 = tpu.memref_slice %arg3[%add3A, %dma_wait3A_159, %dma_wait3A_163] : memref<32x159x64xi32, #tpu.memory_space<hbm>> -> memref<1x1x64xi32, #tpu.memory_space<hbm>>
      %dma_wait3A_165 = tpu.memref_squeeze %dma_wait3A_164 : memref<1x1x64xi32, #tpu.memory_space<hbm>> -> memref<64xi32, #tpu.memory_space<hbm>>
      tpu.wait_dma2 semaphore(%arg20 : memref<!tpu.dma_semaphore, #tpu.memory_space<semaphore_mem>>) src(%dma_wait3A_165 : memref<64xi32, #tpu.memory_space<hbm>>) dst(%arg10 : memref<64xi32, #tpu.memory_space<vmem>>)
      %dma_start3A_166 = arith.constant 0 : i32
      %dma_start3A_167 = arith.constant 0 : i32
      %dma_start3A_168 = tpu.memref_slice %arg14[%dma_start3A_166, %dma_start3A_167] : memref<10240x128xf32, #tpu.memory_space<vmem_shared>> -> memref<10240x128xf32, #tpu.memory_space<vmem_shared>>
      tpu.enqueue_indirect_dma source(%arg13 : memref<64x128xf32, #tpu.memory_space<vmem>>) target(%dma_start3A_168 : memref<10240x128xf32, #tpu.memory_space<vmem_shared>>) offsets(%arg10 : memref<64xi32, #tpu.memory_space<vmem>>) semaphore(%arg23 : memref<!tpu.dma_semaphore, #tpu.memory_space<semaphore_mem>>) {add = true}
      %dma_wait3A_169 = arith.constant 0 : i32
      %dma_wait3A_170 = arith.constant 0 : i32
      %dma_wait3A_171 = tpu.memref_slice %arg14[%dma_wait3A_169, %dma_wait3A_170] : memref<10240x128xf32, #tpu.memory_space<vmem_shared>> -> memref<10240x128xf32, #tpu.memory_space<vmem_shared>>
      tpu.wait_indirect_dma semaphore(%arg21 : memref<!tpu.dma_semaphore, #tpu.memory_space<semaphore_mem>>) src(%arg11 : memref<64x128xf32, #tpu.memory_space<vmem>>) dst(%dma_wait3A_171 : memref<10240x128xf32, #tpu.memory_space<vmem_shared>>)
      %mul3A_172 = arith.constant 3 : i32
      %mul3A_173 = arith.muli %while3A_117, %mul3A_172 : i32
      %add3A_174 = arith.constant 3 : i32
      %add3A_175 = arith.addi %mul3A_173, %add3A_174 : i32
      %add3A_176 = arith.constant 0 : i32
      %add3A_177 = arith.addi %add3A_175, %add3A_176 : i32
      %dma_start3A_178 = arith.constant 0 : i32
      %dma_start3A_179 = tpu.memref_slice %arg7[%add3A_177, %dma_start3A_178] : memref<159x64xi32, #tpu.memory_space<vmem>> -> memref<1x64xi32, #tpu.memory_space<vmem>>
      %dma_start3A_180 = tpu.memref_squeeze %dma_start3A_179 : memref<1x64xi32, #tpu.memory_space<vmem>> -> memref<64xi32, #tpu.memory_space<vmem>>
      %dma_start3A_181 = arith.constant 0 : i32
      %dma_start3A_182 = arith.constant 0 : i32
      %dma_start3A_183 = tpu.memref_slice %arg4[%dma_start3A_181, %dma_start3A_182] : memref<92160x128xf32, #tpu.memory_space<hbm>> -> memref<92160x128xf32, #tpu.memory_space<hbm>>
      tpu.enqueue_indirect_dma source(%dma_start3A_183 : memref<92160x128xf32, #tpu.memory_space<hbm>>) target(%arg11 : memref<64x128xf32, #tpu.memory_space<vmem>>) offsets(%dma_start3A_180 : memref<64xi32, #tpu.memory_space<vmem>>) semaphore(%arg15 : memref<!tpu.dma_semaphore, #tpu.memory_space<semaphore_mem>>)
      %dma_start3A_184 = arith.constant 0 : i32
      %dma_start3A_185 = tpu.memref_slice %arg3[%add3A, %add3A_177, %dma_start3A_184] : memref<32x159x64xi32, #tpu.memory_space<hbm>> -> memref<1x1x64xi32, #tpu.memory_space<hbm>>
      %dma_start3A_186 = tpu.memref_squeeze %dma_start3A_185 : memref<1x1x64xi32, #tpu.memory_space<hbm>> -> memref<64xi32, #tpu.memory_space<hbm>>
      %dma_start3A_187 = arith.constant 0 : i32
      %dma_start3A_188 = tpu.memref_slice %arg3[%add3A, %add3A_177, %dma_start3A_187] : memref<32x159x64xi32, #tpu.memory_space<hbm>> -> memref<1x1x64xi32, #tpu.memory_space<hbm>>
      %dma_start3A_189 = tpu.memref_squeeze %dma_start3A_188 : memref<1x1x64xi32, #tpu.memory_space<hbm>> -> memref<64xi32, #tpu.memory_space<hbm>>
      tpu.enqueue_dma source(%dma_start3A_189 : memref<64xi32, #tpu.memory_space<hbm>>) target(%arg8 : memref<64xi32, #tpu.memory_space<vmem>>) target_semaphore(%arg18 : memref<!tpu.dma_semaphore, #tpu.memory_space<semaphore_mem>>)
      %dma_wait3A_190 = arith.constant 0 : i32
      %dma_wait3A_191 = arith.constant 0 : i32
      %dma_wait3A_192 = tpu.memref_slice %arg14[%dma_wait3A_190, %dma_wait3A_191] : memref<10240x128xf32, #tpu.memory_space<vmem_shared>> -> memref<10240x128xf32, #tpu.memory_space<vmem_shared>>
      tpu.wait_indirect_dma semaphore(%arg22 : memref<!tpu.dma_semaphore, #tpu.memory_space<semaphore_mem>>) src(%arg12 : memref<64x128xf32, #tpu.memory_space<vmem>>) dst(%dma_wait3A_192 : memref<10240x128xf32, #tpu.memory_space<vmem_shared>>)
      %mul3A_193 = arith.constant 3 : i32
      %mul3A_194 = arith.muli %while3A_117, %mul3A_193 : i32
      %add3A_195 = arith.constant 3 : i32
      %add3A_196 = arith.addi %mul3A_194, %add3A_195 : i32
      %add3A_197 = arith.constant 1 : i32
      %add3A_198 = arith.addi %add3A_196, %add3A_197 : i32
      %dma_start3A_199 = arith.constant 0 : i32
      %dma_start3A_200 = tpu.memref_slice %arg7[%add3A_198, %dma_start3A_199] : memref<159x64xi32, #tpu.memory_space<vmem>> -> memref<1x64xi32, #tpu.memory_space<vmem>>
      %dma_start3A_201 = tpu.memref_squeeze %dma_start3A_200 : memref<1x64xi32, #tpu.memory_space<vmem>> -> memref<64xi32, #tpu.memory_space<vmem>>
      %dma_start3A_202 = arith.constant 0 : i32
      %dma_start3A_203 = arith.constant 0 : i32
      %dma_start3A_204 = tpu.memref_slice %arg4[%dma_start3A_202, %dma_start3A_203] : memref<92160x128xf32, #tpu.memory_space<hbm>> -> memref<92160x128xf32, #tpu.memory_space<hbm>>
      tpu.enqueue_indirect_dma source(%dma_start3A_204 : memref<92160x128xf32, #tpu.memory_space<hbm>>) target(%arg12 : memref<64x128xf32, #tpu.memory_space<vmem>>) offsets(%dma_start3A_201 : memref<64xi32, #tpu.memory_space<vmem>>) semaphore(%arg16 : memref<!tpu.dma_semaphore, #tpu.memory_space<semaphore_mem>>)
      %dma_start3A_205 = arith.constant 0 : i32
      %dma_start3A_206 = tpu.memref_slice %arg3[%add3A, %add3A_198, %dma_start3A_205] : memref<32x159x64xi32, #tpu.memory_space<hbm>> -> memref<1x1x64xi32, #tpu.memory_space<hbm>>
      %dma_start3A_207 = tpu.memref_squeeze %dma_start3A_206 : memref<1x1x64xi32, #tpu.memory_space<hbm>> -> memref<64xi32, #tpu.memory_space<hbm>>
      %dma_start3A_208 = arith.constant 0 : i32
      %dma_start3A_209 = tpu.memref_slice %arg3[%add3A, %add3A_198, %dma_start3A_208] : memref<32x159x64xi32, #tpu.memory_space<hbm>> -> memref<1x1x64xi32, #tpu.memory_space<hbm>>
      %dma_start3A_210 = tpu.memref_squeeze %dma_start3A_209 : memref<1x1x64xi32, #tpu.memory_space<hbm>> -> memref<64xi32, #tpu.memory_space<hbm>>
      tpu.enqueue_dma source(%dma_start3A_210 : memref<64xi32, #tpu.memory_space<hbm>>) target(%arg9 : memref<64xi32, #tpu.memory_space<vmem>>) target_semaphore(%arg19 : memref<!tpu.dma_semaphore, #tpu.memory_space<semaphore_mem>>)
      %dma_wait3A_211 = arith.constant 0 : i32
      %dma_wait3A_212 = arith.constant 0 : i32
      %dma_wait3A_213 = tpu.memref_slice %arg14[%dma_wait3A_211, %dma_wait3A_212] : memref<10240x128xf32, #tpu.memory_space<vmem_shared>> -> memref<10240x128xf32, #tpu.memory_space<vmem_shared>>
      tpu.wait_indirect_dma semaphore(%arg23 : memref<!tpu.dma_semaphore, #tpu.memory_space<semaphore_mem>>) src(%arg13 : memref<64x128xf32, #tpu.memory_space<vmem>>) dst(%dma_wait3A_213 : memref<10240x128xf32, #tpu.memory_space<vmem_shared>>)
      %mul3A_214 = arith.constant 3 : i32
      %mul3A_215 = arith.muli %while3A_117, %mul3A_214 : i32
      %add3A_216 = arith.constant 3 : i32
      %add3A_217 = arith.addi %mul3A_215, %add3A_216 : i32
      %add3A_218 = arith.constant 2 : i32
      %add3A_219 = arith.addi %add3A_217, %add3A_218 : i32
      %dma_start3A_220 = arith.constant 0 : i32
      %dma_start3A_221 = tpu.memref_slice %arg7[%add3A_219, %dma_start3A_220] : memref<159x64xi32, #tpu.memory_space<vmem>> -> memref<1x64xi32, #tpu.memory_space<vmem>>
      %dma_start3A_222 = tpu.memref_squeeze %dma_start3A_221 : memref<1x64xi32, #tpu.memory_space<vmem>> -> memref<64xi32, #tpu.memory_space<vmem>>
      %dma_start3A_223 = arith.constant 0 : i32
      %dma_start3A_224 = arith.constant 0 : i32
      %dma_start3A_225 = tpu.memref_slice %arg4[%dma_start3A_223, %dma_start3A_224] : memref<92160x128xf32, #tpu.memory_space<hbm>> -> memref<92160x128xf32, #tpu.memory_space<hbm>>
      tpu.enqueue_indirect_dma source(%dma_start3A_225 : memref<92160x128xf32, #tpu.memory_space<hbm>>) target(%arg13 : memref<64x128xf32, #tpu.memory_space<vmem>>) offsets(%dma_start3A_222 : memref<64xi32, #tpu.memory_space<vmem>>) semaphore(%arg17 : memref<!tpu.dma_semaphore, #tpu.memory_space<semaphore_mem>>)
      %dma_start3A_226 = arith.constant 0 : i32
      %dma_start3A_227 = tpu.memref_slice %arg3[%add3A, %add3A_219, %dma_start3A_226] : memref<32x159x64xi32, #tpu.memory_space<hbm>> -> memref<1x1x64xi32, #tpu.memory_space<hbm>>
      %dma_start3A_228 = tpu.memref_squeeze %dma_start3A_227 : memref<1x1x64xi32, #tpu.memory_space<hbm>> -> memref<64xi32, #tpu.memory_space<hbm>>
      %dma_start3A_229 = arith.constant 0 : i32
      %dma_start3A_230 = tpu.memref_slice %arg3[%add3A, %add3A_219, %dma_start3A_229] : memref<32x159x64xi32, #tpu.memory_space<hbm>> -> memref<1x1x64xi32, #tpu.memory_space<hbm>>
      %dma_start3A_231 = tpu.memref_squeeze %dma_start3A_230 : memref<1x1x64xi32, #tpu.memory_space<hbm>> -> memref<64xi32, #tpu.memory_space<hbm>>
      tpu.enqueue_dma source(%dma_start3A_231 : memref<64xi32, #tpu.memory_space<hbm>>) target(%arg10 : memref<64xi32, #tpu.memory_space<vmem>>) target_semaphore(%arg20 : memref<!tpu.dma_semaphore, #tpu.memory_space<semaphore_mem>>)
    }
    %while3A_53 = arith.constant 1 : i32
    scf.for %while3A_117 = %while3A_51 to %while3A_47 step %while3A_53  : i32 {
      %dma_wait3A_118 = arith.constant 0 : i32
      %dma_wait3A_119 = arith.constant 0 : i32
      %dma_wait3A_120 = tpu.memref_slice %arg7[%dma_wait3A_118, %dma_wait3A_119] : memref<159x64xi32, #tpu.memory_space<vmem>> -> memref<1x64xi32, #tpu.memory_space<vmem>>
      %dma_wait3A_121 = tpu.memref_squeeze %dma_wait3A_120 : memref<1x64xi32, #tpu.memory_space<vmem>> -> memref<64xi32, #tpu.memory_space<vmem>>
      %dma_wait3A_122 = arith.constant 0 : i32
      %dma_wait3A_123 = arith.constant 0 : i32
      %dma_wait3A_124 = tpu.memref_slice %arg4[%dma_wait3A_122, %dma_wait3A_123] : memref<92160x128xf32, #tpu.memory_space<hbm>> -> memref<92160x128xf32, #tpu.memory_space<hbm>>
      tpu.wait_indirect_dma semaphore(%arg15 : memref<!tpu.dma_semaphore, #tpu.memory_space<semaphore_mem>>) src(%dma_wait3A_124 : memref<92160x128xf32, #tpu.memory_space<hbm>>) dst(%arg11 : memref<64x128xf32, #tpu.memory_space<vmem>>)
      %dma_wait3A_125 = arith.constant 0 : i32
      %dma_wait3A_126 = arith.constant 0 : i32
      %dma_wait3A_127 = tpu.memref_slice %arg3[%add3A, %dma_wait3A_125, %dma_wait3A_126] : memref<32x159x64xi32, #tpu.memory_space<hbm>> -> memref<1x1x64xi32, #tpu.memory_space<hbm>>
      %dma_wait3A_128 = tpu.memref_squeeze %dma_wait3A_127 : memref<1x1x64xi32, #tpu.memory_space<hbm>> -> memref<64xi32, #tpu.memory_space<hbm>>
      %dma_wait3A_129 = arith.constant 0 : i32
      %dma_wait3A_130 = tpu.memref_slice %arg3[%add3A, %dma_wait3A_125, %dma_wait3A_129] : memref<32x159x64xi32, #tpu.memory_space<hbm>> -> memref<1x1x64xi32, #tpu.memory_space<hbm>>
      %dma_wait3A_131 = tpu.memref_squeeze %dma_wait3A_130 : memref<1x1x64xi32, #tpu.memory_space<hbm>> -> memref<64xi32, #tpu.memory_space<hbm>>
      tpu.wait_dma2 semaphore(%arg18 : memref<!tpu.dma_semaphore, #tpu.memory_space<semaphore_mem>>) src(%dma_wait3A_131 : memref<64xi32, #tpu.memory_space<hbm>>) dst(%arg8 : memref<64xi32, #tpu.memory_space<vmem>>)
      %dma_start3A_132 = arith.constant 0 : i32
      %dma_start3A_133 = arith.constant 0 : i32
      %dma_start3A_134 = tpu.memref_slice %arg14[%dma_start3A_132, %dma_start3A_133] : memref<10240x128xf32, #tpu.memory_space<vmem_shared>> -> memref<10240x128xf32, #tpu.memory_space<vmem_shared>>
      tpu.enqueue_indirect_dma source(%arg11 : memref<64x128xf32, #tpu.memory_space<vmem>>) target(%dma_start3A_134 : memref<10240x128xf32, #tpu.memory_space<vmem_shared>>) offsets(%arg8 : memref<64xi32, #tpu.memory_space<vmem>>) semaphore(%arg21 : memref<!tpu.dma_semaphore, #tpu.memory_space<semaphore_mem>>) {add = true}
      %dma_wait3A_135 = arith.constant 0 : i32
      %dma_wait3A_136 = arith.constant 0 : i32
      %dma_wait3A_137 = tpu.memref_slice %arg7[%dma_wait3A_135, %dma_wait3A_136] : memref<159x64xi32, #tpu.memory_space<vmem>> -> memref<1x64xi32, #tpu.memory_space<vmem>>
      %dma_wait3A_138 = tpu.memref_squeeze %dma_wait3A_137 : memref<1x64xi32, #tpu.memory_space<vmem>> -> memref<64xi32, #tpu.memory_space<vmem>>
      %dma_wait3A_139 = arith.constant 0 : i32
      %dma_wait3A_140 = arith.constant 0 : i32
      %dma_wait3A_141 = tpu.memref_slice %arg4[%dma_wait3A_139, %dma_wait3A_140] : memref<92160x128xf32, #tpu.memory_space<hbm>> -> memref<92160x128xf32, #tpu.memory_space<hbm>>
      tpu.wait_indirect_dma semaphore(%arg16 : memref<!tpu.dma_semaphore, #tpu.memory_space<semaphore_mem>>) src(%dma_wait3A_141 : memref<92160x128xf32, #tpu.memory_space<hbm>>) dst(%arg12 : memref<64x128xf32, #tpu.memory_space<vmem>>)
      %dma_wait3A_142 = arith.constant 0 : i32
      %dma_wait3A_143 = arith.constant 0 : i32
      %dma_wait3A_144 = tpu.memref_slice %arg3[%add3A, %dma_wait3A_142, %dma_wait3A_143] : memref<32x159x64xi32, #tpu.memory_space<hbm>> -> memref<1x1x64xi32, #tpu.memory_space<hbm>>
      %dma_wait3A_145 = tpu.memref_squeeze %dma_wait3A_144 : memref<1x1x64xi32, #tpu.memory_space<hbm>> -> memref<64xi32, #tpu.memory_space<hbm>>
      %dma_wait3A_146 = arith.constant 0 : i32
      %dma_wait3A_147 = tpu.memref_slice %arg3[%add3A, %dma_wait3A_142, %dma_wait3A_146] : memref<32x159x64xi32, #tpu.memory_space<hbm>> -> memref<1x1x64xi32, #tpu.memory_space<hbm>>
      %dma_wait3A_148 = tpu.memref_squeeze %dma_wait3A_147 : memref<1x1x64xi32, #tpu.memory_space<hbm>> -> memref<64xi32, #tpu.memory_space<hbm>>
      tpu.wait_dma2 semaphore(%arg19 : memref<!tpu.dma_semaphore, #tpu.memory_space<semaphore_mem>>) src(%dma_wait3A_148 : memref<64xi32, #tpu.memory_space<hbm>>) dst(%arg9 : memref<64xi32, #tpu.memory_space<vmem>>)
      %dma_start3A_149 = arith.constant 0 : i32
      %dma_start3A_150 = arith.constant 0 : i32
      %dma_start3A_151 = tpu.memref_slice %arg14[%dma_start3A_149, %dma_start3A_150] : memref<10240x128xf32, #tpu.memory_space<vmem_shared>> -> memref<10240x128xf32, #tpu.memory_space<vmem_shared>>
      tpu.enqueue_indirect_dma source(%arg12 : memref<64x128xf32, #tpu.memory_space<vmem>>) target(%dma_start3A_151 : memref<10240x128xf32, #tpu.memory_space<vmem_shared>>) offsets(%arg9 : memref<64xi32, #tpu.memory_space<vmem>>) semaphore(%arg22 : memref<!tpu.dma_semaphore, #tpu.memory_space<semaphore_mem>>) {add = true}
      %dma_wait3A_152 = arith.constant 0 : i32
      %dma_wait3A_153 = arith.constant 0 : i32
      %dma_wait3A_154 = tpu.memref_slice %arg7[%dma_wait3A_152, %dma_wait3A_153] : memref<159x64xi32, #tpu.memory_space<vmem>> -> memref<1x64xi32, #tpu.memory_space<vmem>>
      %dma_wait3A_155 = tpu.memref_squeeze %dma_wait3A_154 : memref<1x64xi32, #tpu.memory_space<vmem>> -> memref<64xi32, #tpu.memory_space<vmem>>
      %dma_wait3A_156 = arith.constant 0 : i32
      %dma_wait3A_157 = arith.constant 0 : i32
      %dma_wait3A_158 = tpu.memref_slice %arg4[%dma_wait3A_156, %dma_wait3A_157] : memref<92160x128xf32, #tpu.memory_space<hbm>> -> memref<92160x128xf32, #tpu.memory_space<hbm>>
      tpu.wait_indirect_dma semaphore(%arg17 : memref<!tpu.dma_semaphore, #tpu.memory_space<semaphore_mem>>) src(%dma_wait3A_158 : memref<92160x128xf32, #tpu.memory_space<hbm>>) dst(%arg13 : memref<64x128xf32, #tpu.memory_space<vmem>>)
      %dma_wait3A_159 = arith.constant 0 : i32
      %dma_wait3A_160 = arith.constant 0 : i32
      %dma_wait3A_161 = tpu.memref_slice %arg3[%add3A, %dma_wait3A_159, %dma_wait3A_160] : memref<32x159x64xi32, #tpu.memory_space<hbm>> -> memref<1x1x64xi32, #tpu.memory_space<hbm>>
      %dma_wait3A_162 = tpu.memref_squeeze %dma_wait3A_161 : memref<1x1x64xi32, #tpu.memory_space<hbm>> -> memref<64xi32, #tpu.memory_space<hbm>>
      %dma_wait3A_163 = arith.constant 0 : i32
      %dma_wait3A_164 = tpu.memref_slice %arg3[%add3A, %dma_wait3A_159, %dma_wait3A_163] : memref<32x159x64xi32, #tpu.memory_space<hbm>> -> memref<1x1x64xi32, #tpu.memory_space<hbm>>
      %dma_wait3A_165 = tpu.memref_squeeze %dma_wait3A_164 : memref<1x1x64xi32, #tpu.memory_space<hbm>> -> memref<64xi32, #tpu.memory_space<hbm>>
      tpu.wait_dma2 semaphore(%arg20 : memref<!tpu.dma_semaphore, #tpu.memory_space<semaphore_mem>>) src(%dma_wait3A_165 : memref<64xi32, #tpu.memory_space<hbm>>) dst(%arg10 : memref<64xi32, #tpu.memory_space<vmem>>)
      %dma_start3A_166 = arith.constant 0 : i32
      %dma_start3A_167 = arith.constant 0 : i32
      %dma_start3A_168 = tpu.memref_slice %arg14[%dma_start3A_166, %dma_start3A_167] : memref<10240x128xf32, #tpu.memory_space<vmem_shared>> -> memref<10240x128xf32, #tpu.memory_space<vmem_shared>>
      tpu.enqueue_indirect_dma source(%arg13 : memref<64x128xf32, #tpu.memory_space<vmem>>) target(%dma_start3A_168 : memref<10240x128xf32, #tpu.memory_space<vmem_shared>>) offsets(%arg10 : memref<64xi32, #tpu.memory_space<vmem>>) semaphore(%arg23 : memref<!tpu.dma_semaphore, #tpu.memory_space<semaphore_mem>>) {add = true}
      %dma_wait3A_169 = arith.constant 0 : i32
      %dma_wait3A_170 = arith.constant 0 : i32
      %dma_wait3A_171 = tpu.memref_slice %arg14[%dma_wait3A_169, %dma_wait3A_170] : memref<10240x128xf32, #tpu.memory_space<vmem_shared>> -> memref<10240x128xf32, #tpu.memory_space<vmem_shared>>
      tpu.wait_indirect_dma semaphore(%arg21 : memref<!tpu.dma_semaphore, #tpu.memory_space<semaphore_mem>>) src(%arg11 : memref<64x128xf32, #tpu.memory_space<vmem>>) dst(%dma_wait3A_171 : memref<10240x128xf32, #tpu.memory_space<vmem_shared>>)
      %mul3A_172 = arith.constant 3 : i32
      %mul3A_173 = arith.muli %while3A_117, %mul3A_172 : i32
      %add3A_174 = arith.constant 3 : i32
      %add3A_175 = arith.addi %mul3A_173, %add3A_174 : i32
      %add3A_176 = arith.constant 0 : i32
      %add3A_177 = arith.addi %add3A_175, %add3A_176 : i32
      %dma_start3A_178 = arith.constant 0 : i32
      %dma_start3A_179 = tpu.memref_slice %arg7[%add3A_177, %dma_start3A_178] : memref<159x64xi32, #tpu.memory_space<vmem>> -> memref<1x64xi32, #tpu.memory_space<vmem>>
      %dma_start3A_180 = tpu.memref_squeeze %dma_start3A_179 : memref<1x64xi32, #tpu.memory_space<vmem>> -> memref<64xi32, #tpu.memory_space<vmem>>
      %dma_start3A_181 = arith.constant 0 : i32
      %dma_start3A_182 = arith.constant 0 : i32
      %dma_start3A_183 = tpu.memref_slice %arg4[%dma_start3A_181, %dma_start3A_182] : memref<92160x128xf32, #tpu.memory_space<hbm>> -> memref<92160x128xf32, #tpu.memory_space<hbm>>
      tpu.enqueue_indirect_dma source(%dma_start3A_183 : memref<92160x128xf32, #tpu.memory_space<hbm>>) target(%arg11 : memref<64x128xf32, #tpu.memory_space<vmem>>) offsets(%dma_start3A_180 : memref<64xi32, #tpu.memory_space<vmem>>) semaphore(%arg15 : memref<!tpu.dma_semaphore, #tpu.memory_space<semaphore_mem>>)
      %dma_start3A_184 = arith.constant 0 : i32
      %dma_start3A_185 = tpu.memref_slice %arg3[%add3A, %add3A_177, %dma_start3A_184] : memref<32x159x64xi32, #tpu.memory_space<hbm>> -> memref<1x1x64xi32, #tpu.memory_space<hbm>>
      %dma_start3A_186 = tpu.memref_squeeze %dma_start3A_185 : memref<1x1x64xi32, #tpu.memory_space<hbm>> -> memref<64xi32, #tpu.memory_space<hbm>>
      %dma_start3A_187 = arith.constant 0 : i32
      %dma_start3A_188 = tpu.memref_slice %arg3[%add3A, %add3A_177, %dma_start3A_187] : memref<32x159x64xi32, #tpu.memory_space<hbm>> -> memref<1x1x64xi32, #tpu.memory_space<hbm>>
      %dma_start3A_189 = tpu.memref_squeeze %dma_start3A_188 : memref<1x1x64xi32, #tpu.memory_space<hbm>> -> memref<64xi32, #tpu.memory_space<hbm>>
      tpu.enqueue_dma source(%dma_start3A_189 : memref<64xi32, #tpu.memory_space<hbm>>) target(%arg8 : memref<64xi32, #tpu.memory_space<vmem>>) target_semaphore(%arg18 : memref<!tpu.dma_semaphore, #tpu.memory_space<semaphore_mem>>)
      %dma_wait3A_190 = arith.constant 0 : i32
      %dma_wait3A_191 = arith.constant 0 : i32
      %dma_wait3A_192 = tpu.memref_slice %arg14[%dma_wait3A_190, %dma_wait3A_191] : memref<10240x128xf32, #tpu.memory_space<vmem_shared>> -> memref<10240x128xf32, #tpu.memory_space<vmem_shared>>
      tpu.wait_indirect_dma semaphore(%arg22 : memref<!tpu.dma_semaphore, #tpu.memory_space<semaphore_mem>>) src(%arg12 : memref<64x128xf32, #tpu.memory_space<vmem>>) dst(%dma_wait3A_192 : memref<10240x128xf32, #tpu.memory_space<vmem_shared>>)
      %mul3A_193 = arith.constant 3 : i32
      %mul3A_194 = arith.muli %while3A_117, %mul3A_193 : i32
      %add3A_195 = arith.constant 3 : i32
      %add3A_196 = arith.addi %mul3A_194, %add3A_195 : i32
      %add3A_197 = arith.constant 1 : i32
      %add3A_198 = arith.addi %add3A_196, %add3A_197 : i32
      %dma_start3A_199 = arith.constant 0 : i32
      %dma_start3A_200 = tpu.memref_slice %arg7[%add3A_198, %dma_start3A_199] : memref<159x64xi32, #tpu.memory_space<vmem>> -> memref<1x64xi32, #tpu.memory_space<vmem>>
      %dma_start3A_201 = tpu.memref_squeeze %dma_start3A_200 : memref<1x64xi32, #tpu.memory_space<vmem>> -> memref<64xi32, #tpu.memory_space<vmem>>
      %dma_start3A_202 = arith.constant 0 : i32
      %dma_start3A_203 = arith.constant 0 : i32
      %dma_start3A_204 = tpu.memref_slice %arg4[%dma_start3A_202, %dma_start3A_203] : memref<92160x128xf32, #tpu.memory_space<hbm>> -> memref<92160x128xf32, #tpu.memory_space<hbm>>
      tpu.enqueue_indirect_dma source(%dma_start3A_204 : memref<92160x128xf32, #tpu.memory_space<hbm>>) target(%arg12 : memref<64x128xf32, #tpu.memory_space<vmem>>) offsets(%dma_start3A_201 : memref<64xi32, #tpu.memory_space<vmem>>) semaphore(%arg16 : memref<!tpu.dma_semaphore, #tpu.memory_space<semaphore_mem>>)
      %dma_start3A_205 = arith.constant 0 : i32
      %dma_start3A_206 = tpu.memref_slice %arg3[%add3A, %add3A_198, %dma_start3A_205] : memref<32x159x64xi32, #tpu.memory_space<hbm>> -> memref<1x1x64xi32, #tpu.memory_space<hbm>>
      %dma_start3A_207 = tpu.memref_squeeze %dma_start3A_206 : memref<1x1x64xi32, #tpu.memory_space<hbm>> -> memref<64xi32, #tpu.memory_space<hbm>>
      %dma_start3A_208 = arith.constant 0 : i32
      %dma_start3A_209 = tpu.memref_slice %arg3[%add3A, %add3A_198, %dma_start3A_208] : memref<32x159x64xi32, #tpu.memory_space<hbm>> -> memref<1x1x64xi32, #tpu.memory_space<hbm>>
      %dma_start3A_210 = tpu.memref_squeeze %dma_start3A_209 : memref<1x1x64xi32, #tpu.memory_space<hbm>> -> memref<64xi32, #tpu.memory_space<hbm>>
      tpu.enqueue_dma source(%dma_start3A_210 : memref<64xi32, #tpu.memory_space<hbm>>) target(%arg9 : memref<64xi32, #tpu.memory_space<vmem>>) target_semaphore(%arg19 : memref<!tpu.dma_semaphore, #tpu.memory_space<semaphore_mem>>)
      %dma_wait3A_211 = arith.constant 0 : i32
      %dma_wait3A_212 = arith.constant 0 : i32
      %dma_wait3A_213 = tpu.memref_slice %arg14[%dma_wait3A_211, %dma_wait3A_212] : memref<10240x128xf32, #tpu.memory_space<vmem_shared>> -> memref<10240x128xf32, #tpu.memory_space<vmem_shared>>
      tpu.wait_indirect_dma semaphore(%arg23 : memref<!tpu.dma_semaphore, #tpu.memory_space<semaphore_mem>>) src(%arg13 : memref<64x128xf32, #tpu.memory_space<vmem>>) dst(%dma_wait3A_213 : memref<10240x128xf32, #tpu.memory_space<vmem_shared>>)
      %mul3A_214 = arith.constant 3 : i32
      %mul3A_215 = arith.muli %while3A_117, %mul3A_214 : i32
      %add3A_216 = arith.constant 3 : i32
      %add3A_217 = arith.addi %mul3A_215, %add3A_216 : i32
      %add3A_218 = arith.constant 2 : i32
      %add3A_219 = arith.addi %add3A_217, %add3A_218 : i32
      %dma_start3A_220 = arith.constant 0 : i32
      %dma_start3A_221 = tpu.memref_slice %arg7[%add3A_219, %dma_start3A_220] : memref<159x64xi32, #tpu.memory_space<vmem>> -> memref<1x64xi32, #tpu.memory_space<vmem>>
      %dma_start3A_222 = tpu.memref_squeeze %dma_start3A_221 : memref<1x64xi32, #tpu.memory_space<vmem>> -> memref<64xi32, #tpu.memory_space<vmem>>
      %dma_start3A_223 = arith.constant 0 : i32
      %dma_start3A_224 = arith.constant 0 : i32
      %dma_start3A_225 = tpu.memref_slice %arg4[%dma_start3A_223, %dma_start3A_224] : memref<92160x128xf32, #tpu.memory_space<hbm>> -> memref<92160x128xf32, #tpu.memory_space<hbm>>
      tpu.enqueue_indirect_dma source(%dma_start3A_225 : memref<92160x128xf32, #tpu.memory_space<hbm>>) target(%arg13 : memref<64x128xf32, #tpu.memory_space<vmem>>) offsets(%dma_start3A_222 : memref<64xi32, #tpu.memory_space<vmem>>) semaphore(%arg17 : memref<!tpu.dma_semaphore, #tpu.memory_space<semaphore_mem>>)
      %dma_start3A_226 = arith.constant 0 : i32
      %dma_start3A_227 = tpu.memref_slice %arg3[%add3A, %add3A_219, %dma_start3A_226] : memref<32x159x64xi32, #tpu.memory_space<hbm>> -> memref<1x1x64xi32, #tpu.memory_space<hbm>>
      %dma_start3A_228 = tpu.memref_squeeze %dma_start3A_227 : memref<1x1x64xi32, #tpu.memory_space<hbm>> -> memref<64xi32, #tpu.memory_space<hbm>>
      %dma_start3A_229 = arith.constant 0 : i32
      %dma_start3A_230 = tpu.memref_slice %arg3[%add3A, %add3A_219, %dma_start3A_229] : memref<32x159x64xi32, #tpu.memory_space<hbm>> -> memref<1x1x64xi32, #tpu.memory_space<hbm>>
      %dma_start3A_231 = tpu.memref_squeeze %dma_start3A_230 : memref<1x1x64xi32, #tpu.memory_space<hbm>> -> memref<64xi32, #tpu.memory_space<hbm>>
      tpu.enqueue_dma source(%dma_start3A_231 : memref<64xi32, #tpu.memory_space<hbm>>) target(%arg10 : memref<64xi32, #tpu.memory_space<vmem>>) target_semaphore(%arg20 : memref<!tpu.dma_semaphore, #tpu.memory_space<semaphore_mem>>)
    }
    %dma_wait3A = arith.constant 0 : i32
    %dma_wait3A_54 = arith.constant 0 : i32
    %dma_wait3A_55 = tpu.memref_slice %arg7[%dma_wait3A, %dma_wait3A_54] : memref<159x64xi32, #tpu.memory_space<vmem>> -> memref<1x64xi32, #tpu.memory_space<vmem>>
    %dma_wait3A_56 = tpu.memref_squeeze %dma_wait3A_55 : memref<1x64xi32, #tpu.memory_space<vmem>> -> memref<64xi32, #tpu.memory_space<vmem>>
    %dma_wait3A_57 = arith.constant 0 : i32
    %dma_wait3A_58 = arith.constant 0 : i32
    %dma_wait3A_59 = tpu.memref_slice %arg4[%dma_wait3A_57, %dma_wait3A_58] : memref<92160x128xf32, #tpu.memory_space<hbm>> -> memref<92160x128xf32, #tpu.memory_space<hbm>>
    tpu.wait_indirect_dma semaphore(%arg15 : memref<!tpu.dma_semaphore, #tpu.memory_space<semaphore_mem>>) src(%dma_wait3A_59 : memref<92160x128xf32, #tpu.memory_space<hbm>>) dst(%arg11 : memref<64x128xf32, #tpu.memory_space<vmem>>)
    %dma_wait3A_60 = arith.constant 0 : i32
    %dma_wait3A_61 = arith.constant 0 : i32
    %dma_wait3A_62 = tpu.memref_slice %arg3[%add3A, %dma_wait3A_60, %dma_wait3A_61] : memref<32x159x64xi32, #tpu.memory_space<hbm>> -> memref<1x1x64xi32, #tpu.memory_space<hbm>>
    %dma_wait3A_63 = tpu.memref_squeeze %dma_wait3A_62 : memref<1x1x64xi32, #tpu.memory_space<hbm>> -> memref<64xi32, #tpu.memory_space<hbm>>
    %dma_wait3A_64 = arith.constant 0 : i32
    %dma_wait3A_65 = tpu.memref_slice %arg3[%add3A, %dma_wait3A_60, %dma_wait3A_64] : memref<32x159x64xi32, #tpu.memory_space<hbm>> -> memref<1x1x64xi32, #tpu.memory_space<hbm>>
    %dma_wait3A_66 = tpu.memref_squeeze %dma_wait3A_65 : memref<1x1x64xi32, #tpu.memory_space<hbm>> -> memref<64xi32, #tpu.memory_space<hbm>>
    tpu.wait_dma2 semaphore(%arg18 : memref<!tpu.dma_semaphore, #tpu.memory_space<semaphore_mem>>) src(%dma_wait3A_66 : memref<64xi32, #tpu.memory_space<hbm>>) dst(%arg8 : memref<64xi32, #tpu.memory_space<vmem>>)
    %dma_start3A_67 = arith.constant 0 : i32
    %dma_start3A_68 = arith.constant 0 : i32
    %dma_start3A_69 = tpu.memref_slice %arg14[%dma_start3A_67, %dma_start3A_68] : memref<10240x128xf32, #tpu.memory_space<vmem_shared>> -> memref<10240x128xf32, #tpu.memory_space<vmem_shared>>
    tpu.enqueue_indirect_dma source(%arg11 : memref<64x128xf32, #tpu.memory_space<vmem>>) target(%dma_start3A_69 : memref<10240x128xf32, #tpu.memory_space<vmem_shared>>) offsets(%arg8 : memref<64xi32, #tpu.memory_space<vmem>>) semaphore(%arg21 : memref<!tpu.dma_semaphore, #tpu.memory_space<semaphore_mem>>) {add = true}
    %dma_wait3A_70 = arith.constant 0 : i32
    %dma_wait3A_71 = arith.constant 0 : i32
    %dma_wait3A_72 = tpu.memref_slice %arg7[%dma_wait3A_70, %dma_wait3A_71] : memref<159x64xi32, #tpu.memory_space<vmem>> -> memref<1x64xi32, #tpu.memory_space<vmem>>
    %dma_wait3A_73 = tpu.memref_squeeze %dma_wait3A_72 : memref<1x64xi32, #tpu.memory_space<vmem>> -> memref<64xi32, #tpu.memory_space<vmem>>
    %dma_wait3A_74 = arith.constant 0 : i32
    %dma_wait3A_75 = arith.constant 0 : i32
    %dma_wait3A_76 = tpu.memref_slice %arg4[%dma_wait3A_74, %dma_wait3A_75] : memref<92160x128xf32, #tpu.memory_space<hbm>> -> memref<92160x128xf32, #tpu.memory_space<hbm>>
    tpu.wait_indirect_dma semaphore(%arg16 : memref<!tpu.dma_semaphore, #tpu.memory_space<semaphore_mem>>) src(%dma_wait3A_76 : memref<92160x128xf32, #tpu.memory_space<hbm>>) dst(%arg12 : memref<64x128xf32, #tpu.memory_space<vmem>>)
    %dma_wait3A_77 = arith.constant 0 : i32
    %dma_wait3A_78 = arith.constant 0 : i32
    %dma_wait3A_79 = tpu.memref_slice %arg3[%add3A, %dma_wait3A_77, %dma_wait3A_78] : memref<32x159x64xi32, #tpu.memory_space<hbm>> -> memref<1x1x64xi32, #tpu.memory_space<hbm>>
    %dma_wait3A_80 = tpu.memref_squeeze %dma_wait3A_79 : memref<1x1x64xi32, #tpu.memory_space<hbm>> -> memref<64xi32, #tpu.memory_space<hbm>>
    %dma_wait3A_81 = arith.constant 0 : i32
    %dma_wait3A_82 = tpu.memref_slice %arg3[%add3A, %dma_wait3A_77, %dma_wait3A_81] : memref<32x159x64xi32, #tpu.memory_space<hbm>> -> memref<1x1x64xi32, #tpu.memory_space<hbm>>
    %dma_wait3A_83 = tpu.memref_squeeze %dma_wait3A_82 : memref<1x1x64xi32, #tpu.memory_space<hbm>> -> memref<64xi32, #tpu.memory_space<hbm>>
    tpu.wait_dma2 semaphore(%arg19 : memref<!tpu.dma_semaphore, #tpu.memory_space<semaphore_mem>>) src(%dma_wait3A_83 : memref<64xi32, #tpu.memory_space<hbm>>) dst(%arg9 : memref<64xi32, #tpu.memory_space<vmem>>)
    %dma_start3A_84 = arith.constant 0 : i32
    %dma_start3A_85 = arith.constant 0 : i32
    %dma_start3A_86 = tpu.memref_slice %arg14[%dma_start3A_84, %dma_start3A_85] : memref<10240x128xf32, #tpu.memory_space<vmem_shared>> -> memref<10240x128xf32, #tpu.memory_space<vmem_shared>>
    tpu.enqueue_indirect_dma source(%arg12 : memref<64x128xf32, #tpu.memory_space<vmem>>) target(%dma_start3A_86 : memref<10240x128xf32, #tpu.memory_space<vmem_shared>>) offsets(%arg9 : memref<64xi32, #tpu.memory_space<vmem>>) semaphore(%arg22 : memref<!tpu.dma_semaphore, #tpu.memory_space<semaphore_mem>>) {add = true}
    %dma_wait3A_87 = arith.constant 0 : i32
    %dma_wait3A_88 = arith.constant 0 : i32
    %dma_wait3A_89 = tpu.memref_slice %arg7[%dma_wait3A_87, %dma_wait3A_88] : memref<159x64xi32, #tpu.memory_space<vmem>> -> memref<1x64xi32, #tpu.memory_space<vmem>>
    %dma_wait3A_90 = tpu.memref_squeeze %dma_wait3A_89 : memref<1x64xi32, #tpu.memory_space<vmem>> -> memref<64xi32, #tpu.memory_space<vmem>>
    %dma_wait3A_91 = arith.constant 0 : i32
    %dma_wait3A_92 = arith.constant 0 : i32
    %dma_wait3A_93 = tpu.memref_slice %arg4[%dma_wait3A_91, %dma_wait3A_92] : memref<92160x128xf32, #tpu.memory_space<hbm>> -> memref<92160x128xf32, #tpu.memory_space<hbm>>
    tpu.wait_indirect_dma semaphore(%arg17 : memref<!tpu.dma_semaphore, #tpu.memory_space<semaphore_mem>>) src(%dma_wait3A_93 : memref<92160x128xf32, #tpu.memory_space<hbm>>) dst(%arg13 : memref<64x128xf32, #tpu.memory_space<vmem>>)
    %dma_wait3A_94 = arith.constant 0 : i32
    %dma_wait3A_95 = arith.constant 0 : i32
    %dma_wait3A_96 = tpu.memref_slice %arg3[%add3A, %dma_wait3A_94, %dma_wait3A_95] : memref<32x159x64xi32, #tpu.memory_space<hbm>> -> memref<1x1x64xi32, #tpu.memory_space<hbm>>
    %dma_wait3A_97 = tpu.memref_squeeze %dma_wait3A_96 : memref<1x1x64xi32, #tpu.memory_space<hbm>> -> memref<64xi32, #tpu.memory_space<hbm>>
    %dma_wait3A_98 = arith.constant 0 : i32
    %dma_wait3A_99 = tpu.memref_slice %arg3[%add3A, %dma_wait3A_94, %dma_wait3A_98] : memref<32x159x64xi32, #tpu.memory_space<hbm>> -> memref<1x1x64xi32, #tpu.memory_space<hbm>>
    %dma_wait3A_100 = tpu.memref_squeeze %dma_wait3A_99 : memref<1x1x64xi32, #tpu.memory_space<hbm>> -> memref<64xi32, #tpu.memory_space<hbm>>
    tpu.wait_dma2 semaphore(%arg20 : memref<!tpu.dma_semaphore, #tpu.memory_space<semaphore_mem>>) src(%dma_wait3A_100 : memref<64xi32, #tpu.memory_space<hbm>>) dst(%arg10 : memref<64xi32, #tpu.memory_space<vmem>>)
    %dma_start3A_101 = arith.constant 0 : i32
    %dma_start3A_102 = arith.constant 0 : i32
    %dma_start3A_103 = tpu.memref_slice %arg14[%dma_start3A_101, %dma_start3A_102] : memref<10240x128xf32, #tpu.memory_space<vmem_shared>> -> memref<10240x128xf32, #tpu.memory_space<vmem_shared>>
    tpu.enqueue_indirect_dma source(%arg13 : memref<64x128xf32, #tpu.memory_space<vmem>>) target(%dma_start3A_103 : memref<10240x128xf32, #tpu.memory_space<vmem_shared>>) offsets(%arg10 : memref<64xi32, #tpu.memory_space<vmem>>) semaphore(%arg23 : memref<!tpu.dma_semaphore, #tpu.memory_space<semaphore_mem>>) {add = true}
    %dma_wait3A_104 = arith.constant 0 : i32
    %dma_wait3A_105 = arith.constant 0 : i32
    %dma_wait3A_106 = tpu.memref_slice %arg14[%dma_wait3A_104, %dma_wait3A_105] : memref<10240x128xf32, #tpu.memory_space<vmem_shared>> -> memref<10240x128xf32, #tpu.memory_space<vmem_shared>>
    tpu.wait_indirect_dma semaphore(%arg21 : memref<!tpu.dma_semaphore, #tpu.memory_space<semaphore_mem>>) src(%arg11 : memref<64x128xf32, #tpu.memory_space<vmem>>) dst(%dma_wait3A_106 : memref<10240x128xf32, #tpu.memory_space<vmem_shared>>)
    %dma_wait3A_107 = arith.constant 0 : i32
    %dma_wait3A_108 = arith.constant 0 : i32
    %dma_wait3A_109 = tpu.memref_slice %arg14[%dma_wait3A_107, %dma_wait3A_108] : memref<10240x128xf32, #tpu.memory_space<vmem_shared>> -> memref<10240x128xf32, #tpu.memory_space<vmem_shared>>
    tpu.wait_indirect_dma semaphore(%arg22 : memref<!tpu.dma_semaphore, #tpu.memory_space<semaphore_mem>>) src(%arg12 : memref<64x128xf32, #tpu.memory_space<vmem>>) dst(%dma_wait3A_109 : memref<10240x128xf32, #tpu.memory_space<vmem_shared>>)
    %dma_wait3A_110 = arith.constant 0 : i32
    %dma_wait3A_111 = arith.constant 0 : i32
    %dma_wait3A_112 = tpu.memref_slice %arg14[%dma_wait3A_110, %dma_wait3A_111] : memref<10240x128xf32, #tpu.memory_space<vmem_shared>> -> memref<10240x128xf32, #tpu.memory_space<vmem_shared>>
    tpu.wait_indirect_dma semaphore(%arg23 : memref<!tpu.dma_semaphore, #tpu.memory_space<semaphore_mem>>) src(%arg13 : memref<64x128xf32, #tpu.memory_space<vmem>>) dst(%dma_wait3A_112 : memref<10240x128xf32, #tpu.memory_space<vmem_shared>>)
    %barrier3A_113 = arith.constant 0 : index
    tpu.barrier barrier_id(%barrier3A_113)
    %mul3A_114 = arith.constant 10240 : i32
    %mul3A_115 = arith.muli %arg0, %mul3A_114 : i32
    %add3A_116 = arith.addi %mul3A_115, %mul3A_2 : i32
    "tpu.region"() ({
      %run_scoped3A = tpu.sem_alloc : memref<!tpu.dma_semaphore, #tpu.memory_space<semaphore_mem>>
      %dma_start3A_117 = arith.constant 0 : i32
      %dma_start3A_118 = tpu.memref_slice %arg6[%add3A_116, %dma_start3A_117] : memref<20480x128xf32, #tpu.memory_space<hbm>> -> memref<640x128xf32, #tpu.memory_space<hbm>>
      %dma_start3A_119 = arith.constant 0 : i32
      %dma_start3A_120 = tpu.memref_slice %arg14[%mul3A_2, %dma_start3A_119] : memref<10240x128xf32, #tpu.memory_space<vmem_shared>> -> memref<640x128xf32, #tpu.memory_space<vmem_shared>>
      tpu.enqueue_dma source(%dma_start3A_120 : memref<640x128xf32, #tpu.memory_space<vmem_shared>>) target(%dma_start3A_118 : memref<640x128xf32, #tpu.memory_space<hbm>>) target_semaphore(%run_scoped3A : memref<!tpu.dma_semaphore, #tpu.memory_space<semaphore_mem>>)
      %dma_wait3A_121 = arith.constant 0 : i32
      %dma_wait3A_122 = tpu.memref_slice %arg6[%add3A_116, %dma_wait3A_121] : memref<20480x128xf32, #tpu.memory_space<hbm>> -> memref<640x128xf32, #tpu.memory_space<hbm>>
      %dma_wait3A_123 = arith.constant 0 : i32
      %dma_wait3A_124 = tpu.memref_slice %arg14[%mul3A_2, %dma_wait3A_123] : memref<10240x128xf32, #tpu.memory_space<vmem_shared>> -> memref<640x128xf32, #tpu.memory_space<vmem_shared>>
      tpu.wait_dma2 semaphore(%run_scoped3A : memref<!tpu.dma_semaphore, #tpu.memory_space<semaphore_mem>>) src(%dma_wait3A_124 : memref<640x128xf32, #tpu.memory_space<vmem_shared>>) dst(%dma_wait3A_122 : memref<640x128xf32, #tpu.memory_space<hbm>>)
      tpu.yield
    }) : () -> ()
    return
  }
}

module attributes {stable_mosaic.version = 14 : i64} {
  func.func @_tables0_body(%arg0: i32, %arg1: memref<256x128xf32, #tpu.memory_space<vmem>>, %arg2: memref<3x128x128xf32, #tpu.memory_space<vmem>>, %arg3: memref<3x128x128xf32, #tpu.memory_space<vmem>>, %arg4: memref<6x256x128xf32, #tpu.memory_space<vmem>>) attributes {dimension_semantics = [#tpu.dimension_semantics<arbitrary>], iteration_bounds = array<i64: 40>, scalar_prefetch = 0 : i64, scratch_operands = 0 : i64, tpu.core_type = #tpu.core_type<tc>, window_params = [{transform_indices = @transform_0, window_bounds = array<i64: 256, 128>}, {pipeline_mode = #tpu.pipeline_mode<synchronous>, transform_indices = @transform_1, window_bounds = array<i64: 3, 128, 128>}, {pipeline_mode = #tpu.pipeline_mode<synchronous>, transform_indices = @transform_2, window_bounds = array<i64: 3, 128, 128>}, {transform_indices = @transform_3, window_bounds = array<i64: 6, 256, 128>}]} {
    %get3A = arith.constant 0 : index
    %get3A_0 = arith.constant 0 : index
    %get3A_1 = vector.load %arg1[%get3A, %get3A_0] : memref<256x128xf32, #tpu.memory_space<vmem>>, vector<256x128xf32>
    %get3A_2 = arith.constant 0 : index
    %get3A_3 = arith.constant 0 : index
    %get3A_4 = arith.constant 0 : index
    %get3A_5 = vector.load %arg3[%get3A_2, %get3A_3, %get3A_4] : memref<3x128x128xf32, #tpu.memory_space<vmem>>, vector<1x128x128xf32>
    %get3A_6 = vector.shape_cast %get3A_5 : vector<1x128x128xf32> to vector<128x128xf32>
    %dot_general3A = arith.constant dense<0.000000e+00> : vector<256x128xf32>
    %dot_general3A_7 = tpu.matmul %get3A_1, %get3A_6, %dot_general3A {dimension_numbers = #tpu.dot_dimension_numbers<[1], [0], [0], [1], [0, 0, 1, 1], [], []>, precision = #tpu.contract_precision<fp32>, transpose_lhs_hint = false} : vector<256x128xf32>, vector<128x128xf32>, vector<256x128xf32> -> vector<256x128xf32>
    %get3A_8 = arith.constant 0 : index
    %get3A_9 = arith.constant 0 : index
    %get3A_10 = arith.constant 0 : index
    %get3A_11 = vector.load %arg2[%get3A_8, %get3A_9, %get3A_10] : memref<3x128x128xf32, #tpu.memory_space<vmem>>, vector<1x128x128xf32>
    %get3A_12 = vector.shape_cast %get3A_11 : vector<1x128x128xf32> to vector<128x128xf32>
    %dot_general3A_13 = arith.constant dense<0.000000e+00> : vector<256x128xf32>
    %dot_general3A_14 = tpu.matmul %get3A_1, %get3A_12, %dot_general3A_13 {dimension_numbers = #tpu.dot_dimension_numbers<[1], [0], [0], [1], [0, 0, 1, 1], [], []>, precision = #tpu.contract_precision<fp32>, transpose_lhs_hint = false} : vector<256x128xf32>, vector<128x128xf32>, vector<256x128xf32> -> vector<256x128xf32>
    %swap3A = arith.constant 0 : index
    %swap3A_15 = arith.constant 0 : index
    %swap3A_16 = arith.constant 0 : index
    %swap3A_17 = vector.load %arg4[%swap3A, %swap3A_15, %swap3A_16] : memref<6x256x128xf32, #tpu.memory_space<vmem>>, vector<1x256x128xf32>
    %swap3A_18 = vector.shape_cast %swap3A_17 : vector<1x256x128xf32> to vector<256x128xf32>
    %swap3A_19 = vector.shape_cast %dot_general3A_14 : vector<256x128xf32> to vector<1x256x128xf32>
    tpu.vector_store %arg4[%swap3A, %swap3A_15, %swap3A_16], %swap3A_19 {strides = array<i32>} : memref<6x256x128xf32, #tpu.memory_space<vmem>>, vector<1x256x128xf32>,
    %add3A = arith.addf %dot_general3A_14, %dot_general3A_7 : vector<256x128xf32>
    %swap3A_20 = arith.constant 1 : index
    %swap3A_21 = arith.constant 0 : index
    %swap3A_22 = arith.constant 0 : index
    %swap3A_23 = vector.load %arg4[%swap3A_20, %swap3A_21, %swap3A_22] : memref<6x256x128xf32, #tpu.memory_space<vmem>>, vector<1x256x128xf32>
    %swap3A_24 = vector.shape_cast %swap3A_23 : vector<1x256x128xf32> to vector<256x128xf32>
    %swap3A_25 = vector.shape_cast %add3A : vector<256x128xf32> to vector<1x256x128xf32>
    tpu.vector_store %arg4[%swap3A_20, %swap3A_21, %swap3A_22], %swap3A_25 {strides = array<i32>} : memref<6x256x128xf32, #tpu.memory_space<vmem>>, vector<1x256x128xf32>,
    %get3A_26 = arith.constant 1 : index
    %get3A_27 = arith.constant 0 : index
    %get3A_28 = arith.constant 0 : index
    %get3A_29 = vector.load %arg2[%get3A_26, %get3A_27, %get3A_28] : memref<3x128x128xf32, #tpu.memory_space<vmem>>, vector<1x128x128xf32>
    %get3A_30 = vector.shape_cast %get3A_29 : vector<1x128x128xf32> to vector<128x128xf32>
    %dot_general3A_31 = arith.constant dense<0.000000e+00> : vector<256x128xf32>
    %dot_general3A_32 = tpu.matmul %get3A_1, %get3A_30, %dot_general3A_31 {dimension_numbers = #tpu.dot_dimension_numbers<[1], [0], [0], [1], [0, 0, 1, 1], [], []>, precision = #tpu.contract_precision<fp32>, transpose_lhs_hint = false} : vector<256x128xf32>, vector<128x128xf32>, vector<256x128xf32> -> vector<256x128xf32>
    %swap3A_33 = arith.constant 2 : index
    %swap3A_34 = arith.constant 0 : index
    %swap3A_35 = arith.constant 0 : index
    %swap3A_36 = vector.load %arg4[%swap3A_33, %swap3A_34, %swap3A_35] : memref<6x256x128xf32, #tpu.memory_space<vmem>>, vector<1x256x128xf32>
    %swap3A_37 = vector.shape_cast %swap3A_36 : vector<1x256x128xf32> to vector<256x128xf32>
    %swap3A_38 = vector.shape_cast %dot_general3A_32 : vector<256x128xf32> to vector<1x256x128xf32>
    tpu.vector_store %arg4[%swap3A_33, %swap3A_34, %swap3A_35], %swap3A_38 {strides = array<i32>} : memref<6x256x128xf32, #tpu.memory_space<vmem>>, vector<1x256x128xf32>,
    %add3A_39 = arith.addf %dot_general3A_32, %dot_general3A_7 : vector<256x128xf32>
    %swap3A_40 = arith.constant 3 : index
    %swap3A_41 = arith.constant 0 : index
    %swap3A_42 = arith.constant 0 : index
    %swap3A_43 = vector.load %arg4[%swap3A_40, %swap3A_41, %swap3A_42] : memref<6x256x128xf32, #tpu.memory_space<vmem>>, vector<1x256x128xf32>
    %swap3A_44 = vector.shape_cast %swap3A_43 : vector<1x256x128xf32> to vector<256x128xf32>
    %swap3A_45 = vector.shape_cast %add3A_39 : vector<256x128xf32> to vector<1x256x128xf32>
    tpu.vector_store %arg4[%swap3A_40, %swap3A_41, %swap3A_42], %swap3A_45 {strides = array<i32>} : memref<6x256x128xf32, #tpu.memory_space<vmem>>, vector<1x256x128xf32>,
    %get3A_46 = arith.constant 2 : index
    %get3A_47 = arith.constant 0 : index
    %get3A_48 = arith.constant 0 : index
    %get3A_49 = vector.load %arg2[%get3A_46, %get3A_47, %get3A_48] : memref<3x128x128xf32, #tpu.memory_space<vmem>>, vector<1x128x128xf32>
    %get3A_50 = vector.shape_cast %get3A_49 : vector<1x128x128xf32> to vector<128x128xf32>
    %dot_general3A_51 = arith.constant dense<0.000000e+00> : vector<256x128xf32>
    %dot_general3A_52 = tpu.matmul %get3A_1, %get3A_50, %dot_general3A_51 {dimension_numbers = #tpu.dot_dimension_numbers<[1], [0], [0], [1], [0, 0, 1, 1], [], []>, precision = #tpu.contract_precision<fp32>, transpose_lhs_hint = false} : vector<256x128xf32>, vector<128x128xf32>, vector<256x128xf32> -> vector<256x128xf32>
    %swap3A_53 = arith.constant 4 : index
    %swap3A_54 = arith.constant 0 : index
    %swap3A_55 = arith.constant 0 : index
    %swap3A_56 = vector.load %arg4[%swap3A_53, %swap3A_54, %swap3A_55] : memref<6x256x128xf32, #tpu.memory_space<vmem>>, vector<1x256x128xf32>
    %swap3A_57 = vector.shape_cast %swap3A_56 : vector<1x256x128xf32> to vector<256x128xf32>
    %swap3A_58 = vector.shape_cast %dot_general3A_52 : vector<256x128xf32> to vector<1x256x128xf32>
    tpu.vector_store %arg4[%swap3A_53, %swap3A_54, %swap3A_55], %swap3A_58 {strides = array<i32>} : memref<6x256x128xf32, #tpu.memory_space<vmem>>, vector<1x256x128xf32>,
    %add3A_59 = arith.addf %dot_general3A_52, %dot_general3A_7 : vector<256x128xf32>
    %swap3A_60 = arith.constant 5 : index
    %swap3A_61 = arith.constant 0 : index
    %swap3A_62 = arith.constant 0 : index
    %swap3A_63 = vector.load %arg4[%swap3A_60, %swap3A_61, %swap3A_62] : memref<6x256x128xf32, #tpu.memory_space<vmem>>, vector<1x256x128xf32>
    %swap3A_64 = vector.shape_cast %swap3A_63 : vector<1x256x128xf32> to vector<256x128xf32>
    %swap3A_65 = vector.shape_cast %add3A_59 : vector<256x128xf32> to vector<1x256x128xf32>
    tpu.vector_store %arg4[%swap3A_60, %swap3A_61, %swap3A_62], %swap3A_65 {strides = array<i32>} : memref<6x256x128xf32, #tpu.memory_space<vmem>>, vector<1x256x128xf32>,
    return
  }
  func.func @transform_0(%arg0: i32) -> (i32, i32) {
    %c0_i32 = arith.constant 0 : i32
    %c0_i32_0 = arith.constant 0 : i32
    return %arg0, %c0_i32 : i32, i32
  }
  func.func @transform_1(%arg0: i32) -> (i32, i32, i32) {
    %c0_i32 = arith.constant 0 : i32
    %c0_i32_0 = arith.constant 0 : i32
    %c0_i32_1 = arith.constant 0 : i32
    %c0_i32_2 = arith.constant 0 : i32
    return %c0_i32, %c0_i32_0, %c0_i32_1 : i32, i32, i32
  }
  func.func @transform_2(%arg0: i32) -> (i32, i32, i32) {
    %c0_i32 = arith.constant 0 : i32
    %c0_i32_0 = arith.constant 0 : i32
    %c0_i32_1 = arith.constant 0 : i32
    %c0_i32_2 = arith.constant 0 : i32
    return %c0_i32, %c0_i32_0, %c0_i32_1 : i32, i32, i32
  }
  func.func @transform_3(%arg0: i32) -> (i32, i32, i32) {
    %c0_i32 = arith.constant 0 : i32
    %c0_i32_0 = arith.constant 0 : i32
    %c0_i32_1 = arith.constant 0 : i32
    return %c0_i32, %arg0, %c0_i32_0 : i32, i32, i32
  }
}

module attributes {stable_mosaic.version = 14 : i64} {
  func.func @_tables1_body(%arg0: i32, %arg1: memref<256x128xf32, #tpu.memory_space<vmem>>, %arg2: memref<2x256x128xf32, #tpu.memory_space<vmem>>, %arg3: memref<3x128x128xf32, #tpu.memory_space<vmem>>, %arg4: memref<3x128x128xf32, #tpu.memory_space<vmem>>, %arg5: memref<9x256x128xf32, #tpu.memory_space<vmem>>, %arg6: memref<256x128xf32, #tpu.memory_space<vmem>>) attributes {dimension_semantics = [#tpu.dimension_semantics<arbitrary>], iteration_bounds = array<i64: 40>, scalar_prefetch = 0 : i64, scratch_operands = 0 : i64, tpu.core_type = #tpu.core_type<tc>, window_params = [{transform_indices = @transform_0, window_bounds = array<i64: 256, 128>}, {transform_indices = @transform_1, window_bounds = array<i64: 2, 256, 128>}, {pipeline_mode = #tpu.pipeline_mode<synchronous>, transform_indices = @transform_2, window_bounds = array<i64: 3, 128, 128>}, {pipeline_mode = #tpu.pipeline_mode<synchronous>, transform_indices = @transform_3, window_bounds = array<i64: 3, 128, 128>}, {transform_indices = @transform_4, window_bounds = array<i64: 9, 256, 128>}, {transform_indices = @transform_5, window_bounds = array<i64: 256, 128>}]} {
    %get3A = arith.constant 0 : index
    %get3A_0 = arith.constant 0 : index
    %get3A_1 = vector.load %arg1[%get3A, %get3A_0] : memref<256x128xf32, #tpu.memory_space<vmem>>, vector<256x128xf32>
    %get3A_2 = arith.constant 0 : index
    %get3A_3 = arith.constant 0 : index
    %get3A_4 = arith.constant 0 : index
    %get3A_5 = vector.load %arg2[%get3A_2, %get3A_3, %get3A_4] : memref<2x256x128xf32, #tpu.memory_space<vmem>>, vector<1x256x128xf32>
    %get3A_6 = vector.shape_cast %get3A_5 : vector<1x256x128xf32> to vector<256x128xf32>
    %get3A_7 = arith.constant 1 : index
    %get3A_8 = arith.constant 0 : index
    %get3A_9 = arith.constant 0 : index
    %get3A_10 = vector.load %arg2[%get3A_7, %get3A_8, %get3A_9] : memref<2x256x128xf32, #tpu.memory_space<vmem>>, vector<1x256x128xf32>
    %get3A_11 = vector.shape_cast %get3A_10 : vector<1x256x128xf32> to vector<256x128xf32>
    %add3A = arith.addf %get3A_6, %get3A_11 : vector<256x128xf32>
    %max3A = arith.constant 0.000000e+00 : f32
    %max3A_12 = vector.broadcast %max3A : f32 to vector<256x128xf32>
    %max3A_13 = arith.maximumf %add3A, %max3A_12 : vector<256x128xf32>
    %add3A_14 = arith.addf %get3A_1, %max3A_13 : vector<256x128xf32>
    %swap3A = arith.constant 0 : index
    %swap3A_15 = arith.constant 0 : index
    %swap3A_16 = vector.load %arg6[%swap3A, %swap3A_15] : memref<256x128xf32, #tpu.memory_space<vmem>>, vector<256x128xf32>
    tpu.vector_store %arg6[%swap3A, %swap3A_15], %add3A_14 {strides = array<i32>} : memref<256x128xf32, #tpu.memory_space<vmem>>, vector<256x128xf32>,
    %get3A_17 = arith.constant 1 : index
    %get3A_18 = arith.constant 0 : index
    %get3A_19 = arith.constant 0 : index
    %get3A_20 = vector.load %arg4[%get3A_17, %get3A_18, %get3A_19] : memref<3x128x128xf32, #tpu.memory_space<vmem>>, vector<1x128x128xf32>
    %get3A_21 = vector.shape_cast %get3A_20 : vector<1x128x128xf32> to vector<128x128xf32>
    %dot_general3A = arith.constant dense<0.000000e+00> : vector<256x128xf32>
    %dot_general3A_22 = tpu.matmul %add3A_14, %get3A_21, %dot_general3A {dimension_numbers = #tpu.dot_dimension_numbers<[1], [0], [0], [1], [0, 0, 1, 1], [], []>, precision = #tpu.contract_precision<fp32>, transpose_lhs_hint = false} : vector<256x128xf32>, vector<128x128xf32>, vector<256x128xf32> -> vector<256x128xf32>
    %get3A_23 = arith.constant 2 : index
    %get3A_24 = arith.constant 0 : index
    %get3A_25 = arith.constant 0 : index
    %get3A_26 = vector.load %arg4[%get3A_23, %get3A_24, %get3A_25] : memref<3x128x128xf32, #tpu.memory_space<vmem>>, vector<1x128x128xf32>
    %get3A_27 = vector.shape_cast %get3A_26 : vector<1x128x128xf32> to vector<128x128xf32>
    %dot_general3A_28 = arith.constant dense<0.000000e+00> : vector<256x128xf32>
    %dot_general3A_29 = tpu.matmul %get3A_1, %get3A_27, %dot_general3A_28 {dimension_numbers = #tpu.dot_dimension_numbers<[1], [0], [0], [1], [0, 0, 1, 1], [], []>, precision = #tpu.contract_precision<fp32>, transpose_lhs_hint = false} : vector<256x128xf32>, vector<128x128xf32>, vector<256x128xf32> -> vector<256x128xf32>
    %get3A_30 = arith.constant 0 : index
    %get3A_31 = arith.constant 0 : index
    %get3A_32 = arith.constant 0 : index
    %get3A_33 = vector.load %arg3[%get3A_30, %get3A_31, %get3A_32] : memref<3x128x128xf32, #tpu.memory_space<vmem>>, vector<1x128x128xf32>
    %get3A_34 = vector.shape_cast %get3A_33 : vector<1x128x128xf32> to vector<128x128xf32>
    %dot_general3A_35 = arith.constant dense<0.000000e+00> : vector<256x128xf32>
    %dot_general3A_36 = tpu.matmul %add3A_14, %get3A_34, %dot_general3A_35 {dimension_numbers = #tpu.dot_dimension_numbers<[1], [0], [0], [1], [0, 0, 1, 1], [], []>, precision = #tpu.contract_precision<fp32>, transpose_lhs_hint = false} : vector<256x128xf32>, vector<128x128xf32>, vector<256x128xf32> -> vector<256x128xf32>
    %swap3A_37 = arith.constant 0 : index
    %swap3A_38 = arith.constant 0 : index
    %swap3A_39 = arith.constant 0 : index
    %swap3A_40 = vector.load %arg5[%swap3A_37, %swap3A_38, %swap3A_39] : memref<9x256x128xf32, #tpu.memory_space<vmem>>, vector<1x256x128xf32>
    %swap3A_41 = vector.shape_cast %swap3A_40 : vector<1x256x128xf32> to vector<256x128xf32>
    %swap3A_42 = vector.shape_cast %dot_general3A_36 : vector<256x128xf32> to vector<1x256x128xf32>
    tpu.vector_store %arg5[%swap3A_37, %swap3A_38, %swap3A_39], %swap3A_42 {strides = array<i32>} : memref<9x256x128xf32, #tpu.memory_space<vmem>>, vector<1x256x128xf32>,
    %add3A_43 = arith.addf %dot_general3A_36, %dot_general3A_22 : vector<256x128xf32>
    %swap3A_44 = arith.constant 1 : index
    %swap3A_45 = arith.constant 0 : index
    %swap3A_46 = arith.constant 0 : index
    %swap3A_47 = vector.load %arg5[%swap3A_44, %swap3A_45, %swap3A_46] : memref<9x256x128xf32, #tpu.memory_space<vmem>>, vector<1x256x128xf32>
    %swap3A_48 = vector.shape_cast %swap3A_47 : vector<1x256x128xf32> to vector<256x128xf32>
    %swap3A_49 = vector.shape_cast %add3A_43 : vector<256x128xf32> to vector<1x256x128xf32>
    tpu.vector_store %arg5[%swap3A_44, %swap3A_45, %swap3A_46], %swap3A_49 {strides = array<i32>} : memref<9x256x128xf32, #tpu.memory_space<vmem>>, vector<1x256x128xf32>,
    %add3A_50 = arith.addf %dot_general3A_36, %dot_general3A_29 : vector<256x128xf32>
    %swap3A_51 = arith.constant 2 : index
    %swap3A_52 = arith.constant 0 : index
    %swap3A_53 = arith.constant 0 : index
    %swap3A_54 = vector.load %arg5[%swap3A_51, %swap3A_52, %swap3A_53] : memref<9x256x128xf32, #tpu.memory_space<vmem>>, vector<1x256x128xf32>
    %swap3A_55 = vector.shape_cast %swap3A_54 : vector<1x256x128xf32> to vector<256x128xf32>
    %swap3A_56 = vector.shape_cast %add3A_50 : vector<256x128xf32> to vector<1x256x128xf32>
    tpu.vector_store %arg5[%swap3A_51, %swap3A_52, %swap3A_53], %swap3A_56 {strides = array<i32>} : memref<9x256x128xf32, #tpu.memory_space<vmem>>, vector<1x256x128xf32>,
    %get3A_57 = arith.constant 1 : index
    %get3A_58 = arith.constant 0 : index
    %get3A_59 = arith.constant 0 : index
    %get3A_60 = vector.load %arg3[%get3A_57, %get3A_58, %get3A_59] : memref<3x128x128xf32, #tpu.memory_space<vmem>>, vector<1x128x128xf32>
    %get3A_61 = vector.shape_cast %get3A_60 : vector<1x128x128xf32> to vector<128x128xf32>
    %dot_general3A_62 = arith.constant dense<0.000000e+00> : vector<256x128xf32>
    %dot_general3A_63 = tpu.matmul %add3A_14, %get3A_61, %dot_general3A_62 {dimension_numbers = #tpu.dot_dimension_numbers<[1], [0], [0], [1], [0, 0, 1, 1], [], []>, precision = #tpu.contract_precision<fp32>, transpose_lhs_hint = false} : vector<256x128xf32>, vector<128x128xf32>, vector<256x128xf32> -> vector<256x128xf32>
    %swap3A_64 = arith.constant 3 : index
    %swap3A_65 = arith.constant 0 : index
    %swap3A_66 = arith.constant 0 : index
    %swap3A_67 = vector.load %arg5[%swap3A_64, %swap3A_65, %swap3A_66] : memref<9x256x128xf32, #tpu.memory_space<vmem>>, vector<1x256x128xf32>
    %swap3A_68 = vector.shape_cast %swap3A_67 : vector<1x256x128xf32> to vector<256x128xf32>
    %swap3A_69 = vector.shape_cast %dot_general3A_63 : vector<256x128xf32> to vector<1x256x128xf32>
    tpu.vector_store %arg5[%swap3A_64, %swap3A_65, %swap3A_66], %swap3A_69 {strides = array<i32>} : memref<9x256x128xf32, #tpu.memory_space<vmem>>, vector<1x256x128xf32>,
    %add3A_70 = arith.addf %dot_general3A_63, %dot_general3A_22 : vector<256x128xf32>
    %swap3A_71 = arith.constant 4 : index
    %swap3A_72 = arith.constant 0 : index
    %swap3A_73 = arith.constant 0 : index
    %swap3A_74 = vector.load %arg5[%swap3A_71, %swap3A_72, %swap3A_73] : memref<9x256x128xf32, #tpu.memory_space<vmem>>, vector<1x256x128xf32>
    %swap3A_75 = vector.shape_cast %swap3A_74 : vector<1x256x128xf32> to vector<256x128xf32>
    %swap3A_76 = vector.shape_cast %add3A_70 : vector<256x128xf32> to vector<1x256x128xf32>
    tpu.vector_store %arg5[%swap3A_71, %swap3A_72, %swap3A_73], %swap3A_76 {strides = array<i32>} : memref<9x256x128xf32, #tpu.memory_space<vmem>>, vector<1x256x128xf32>,
    %add3A_77 = arith.addf %dot_general3A_63, %dot_general3A_29 : vector<256x128xf32>
    %swap3A_78 = arith.constant 5 : index
    %swap3A_79 = arith.constant 0 : index
    %swap3A_80 = arith.constant 0 : index
    %swap3A_81 = vector.load %arg5[%swap3A_78, %swap3A_79, %swap3A_80] : memref<9x256x128xf32, #tpu.memory_space<vmem>>, vector<1x256x128xf32>
    %swap3A_82 = vector.shape_cast %swap3A_81 : vector<1x256x128xf32> to vector<256x128xf32>
    %swap3A_83 = vector.shape_cast %add3A_77 : vector<256x128xf32> to vector<1x256x128xf32>
    tpu.vector_store %arg5[%swap3A_78, %swap3A_79, %swap3A_80], %swap3A_83 {strides = array<i32>} : memref<9x256x128xf32, #tpu.memory_space<vmem>>, vector<1x256x128xf32>,
    %get3A_84 = arith.constant 2 : index
    %get3A_85 = arith.constant 0 : index
    %get3A_86 = arith.constant 0 : index
    %get3A_87 = vector.load %arg3[%get3A_84, %get3A_85, %get3A_86] : memref<3x128x128xf32, #tpu.memory_space<vmem>>, vector<1x128x128xf32>
    %get3A_88 = vector.shape_cast %get3A_87 : vector<1x128x128xf32> to vector<128x128xf32>
    %dot_general3A_89 = arith.constant dense<0.000000e+00> : vector<256x128xf32>
    %dot_general3A_90 = tpu.matmul %add3A_14, %get3A_88, %dot_general3A_89 {dimension_numbers = #tpu.dot_dimension_numbers<[1], [0], [0], [1], [0, 0, 1, 1], [], []>, precision = #tpu.contract_precision<fp32>, transpose_lhs_hint = false} : vector<256x128xf32>, vector<128x128xf32>, vector<256x128xf32> -> vector<256x128xf32>
    %swap3A_91 = arith.constant 6 : index
    %swap3A_92 = arith.constant 0 : index
    %swap3A_93 = arith.constant 0 : index
    %swap3A_94 = vector.load %arg5[%swap3A_91, %swap3A_92, %swap3A_93] : memref<9x256x128xf32, #tpu.memory_space<vmem>>, vector<1x256x128xf32>
    %swap3A_95 = vector.shape_cast %swap3A_94 : vector<1x256x128xf32> to vector<256x128xf32>
    %swap3A_96 = vector.shape_cast %dot_general3A_90 : vector<256x128xf32> to vector<1x256x128xf32>
    tpu.vector_store %arg5[%swap3A_91, %swap3A_92, %swap3A_93], %swap3A_96 {strides = array<i32>} : memref<9x256x128xf32, #tpu.memory_space<vmem>>, vector<1x256x128xf32>,
    %add3A_97 = arith.addf %dot_general3A_90, %dot_general3A_22 : vector<256x128xf32>
    %swap3A_98 = arith.constant 7 : index
    %swap3A_99 = arith.constant 0 : index
    %swap3A_100 = arith.constant 0 : index
    %swap3A_101 = vector.load %arg5[%swap3A_98, %swap3A_99, %swap3A_100] : memref<9x256x128xf32, #tpu.memory_space<vmem>>, vector<1x256x128xf32>
    %swap3A_102 = vector.shape_cast %swap3A_101 : vector<1x256x128xf32> to vector<256x128xf32>
    %swap3A_103 = vector.shape_cast %add3A_97 : vector<256x128xf32> to vector<1x256x128xf32>
    tpu.vector_store %arg5[%swap3A_98, %swap3A_99, %swap3A_100], %swap3A_103 {strides = array<i32>} : memref<9x256x128xf32, #tpu.memory_space<vmem>>, vector<1x256x128xf32>,
    %add3A_104 = arith.addf %dot_general3A_90, %dot_general3A_29 : vector<256x128xf32>
    %swap3A_105 = arith.constant 8 : index
    %swap3A_106 = arith.constant 0 : index
    %swap3A_107 = arith.constant 0 : index
    %swap3A_108 = vector.load %arg5[%swap3A_105, %swap3A_106, %swap3A_107] : memref<9x256x128xf32, #tpu.memory_space<vmem>>, vector<1x256x128xf32>
    %swap3A_109 = vector.shape_cast %swap3A_108 : vector<1x256x128xf32> to vector<256x128xf32>
    %swap3A_110 = vector.shape_cast %add3A_104 : vector<256x128xf32> to vector<1x256x128xf32>
    tpu.vector_store %arg5[%swap3A_105, %swap3A_106, %swap3A_107], %swap3A_110 {strides = array<i32>} : memref<9x256x128xf32, #tpu.memory_space<vmem>>, vector<1x256x128xf32>,
    return
  }
  func.func @transform_0(%arg0: i32) -> (i32, i32) {
    %c0_i32 = arith.constant 0 : i32
    %c0_i32_0 = arith.constant 0 : i32
    return %arg0, %c0_i32 : i32, i32
  }
  func.func @transform_1(%arg0: i32) -> (i32, i32, i32) {
    %c0_i32 = arith.constant 0 : i32
    %c0_i32_0 = arith.constant 0 : i32
    %c0_i32_1 = arith.constant 0 : i32
    return %c0_i32, %arg0, %c0_i32_0 : i32, i32, i32
  }
  func.func @transform_2(%arg0: i32) -> (i32, i32, i32) {
    %c0_i32 = arith.constant 0 : i32
    %c0_i32_0 = arith.constant 0 : i32
    %c0_i32_1 = arith.constant 0 : i32
    %c0_i32_2 = arith.constant 0 : i32
    return %c0_i32, %c0_i32_0, %c0_i32_1 : i32, i32, i32
  }
  func.func @transform_3(%arg0: i32) -> (i32, i32, i32) {
    %c0_i32 = arith.constant 0 : i32
    %c0_i32_0 = arith.constant 0 : i32
    %c0_i32_1 = arith.constant 0 : i32
    %c0_i32_2 = arith.constant 0 : i32
    return %c0_i32, %c0_i32_0, %c0_i32_1 : i32, i32, i32
  }
  func.func @transform_4(%arg0: i32) -> (i32, i32, i32) {
    %c0_i32 = arith.constant 0 : i32
    %c0_i32_0 = arith.constant 0 : i32
    %c0_i32_1 = arith.constant 0 : i32
    return %c0_i32, %arg0, %c0_i32_0 : i32, i32, i32
  }
  func.func @transform_5(%arg0: i32) -> (i32, i32) {
    %c0_i32 = arith.constant 0 : i32
    %c0_i32_0 = arith.constant 0 : i32
    return %arg0, %c0_i32 : i32, i32
  }
}

module attributes {stable_mosaic.version = 14 : i64} {
  func.func @_final_body(%arg0: i32, %arg1: memref<256x128xf32, #tpu.memory_space<vmem>>, %arg2: memref<2x256x128xf32, #tpu.memory_space<vmem>>, %arg3: memref<256x128xf32, #tpu.memory_space<vmem>>) attributes {dimension_semantics = [#tpu.dimension_semantics<arbitrary>], iteration_bounds = array<i64: 40>, scalar_prefetch = 0 : i64, scratch_operands = 0 : i64, tpu.core_type = #tpu.core_type<tc>, window_params = [{transform_indices = @transform_0, window_bounds = array<i64: 256, 128>}, {transform_indices = @transform_1, window_bounds = array<i64: 2, 256, 128>}, {transform_indices = @transform_2, window_bounds = array<i64: 256, 128>}]} {
    %get3A = arith.constant 0 : index
    %get3A_0 = arith.constant 0 : index
    %get3A_1 = vector.load %arg1[%get3A, %get3A_0] : memref<256x128xf32, #tpu.memory_space<vmem>>, vector<256x128xf32>
    %get3A_2 = arith.constant 0 : index
    %get3A_3 = arith.constant 0 : index
    %get3A_4 = arith.constant 0 : index
    %get3A_5 = vector.load %arg2[%get3A_2, %get3A_3, %get3A_4] : memref<2x256x128xf32, #tpu.memory_space<vmem>>, vector<1x256x128xf32>
    %get3A_6 = vector.shape_cast %get3A_5 : vector<1x256x128xf32> to vector<256x128xf32>
    %get3A_7 = arith.constant 1 : index
    %get3A_8 = arith.constant 0 : index
    %get3A_9 = arith.constant 0 : index
    %get3A_10 = vector.load %arg2[%get3A_7, %get3A_8, %get3A_9] : memref<2x256x128xf32, #tpu.memory_space<vmem>>, vector<1x256x128xf32>
    %get3A_11 = vector.shape_cast %get3A_10 : vector<1x256x128xf32> to vector<256x128xf32>
    %add3A = arith.addf %get3A_6, %get3A_11 : vector<256x128xf32>
    %max3A = arith.constant 0.000000e+00 : f32
    %max3A_12 = vector.broadcast %max3A : f32 to vector<256x128xf32>
    %max3A_13 = arith.maximumf %add3A, %max3A_12 : vector<256x128xf32>
    %add3A_14 = arith.addf %get3A_1, %max3A_13 : vector<256x128xf32>
    %swap3A = arith.constant 0 : index
    %swap3A_15 = arith.constant 0 : index
    %swap3A_16 = vector.load %arg3[%swap3A, %swap3A_15] : memref<256x128xf32, #tpu.memory_space<vmem>>, vector<256x128xf32>
    tpu.vector_store %arg3[%swap3A, %swap3A_15], %add3A_14 {strides = array<i32>} : memref<256x128xf32, #tpu.memory_space<vmem>>, vector<256x128xf32>,
    return
  }
  func.func @transform_0(%arg0: i32) -> (i32, i32) {
    %c0_i32 = arith.constant 0 : i32
    %c0_i32_0 = arith.constant 0 : i32
    return %arg0, %c0_i32 : i32, i32
  }
  func.func @transform_1(%arg0: i32) -> (i32, i32, i32) {
    %c0_i32 = arith.constant 0 : i32
    %c0_i32_0 = arith.constant 0 : i32
    %c0_i32_1 = arith.constant 0 : i32
    return %c0_i32, %arg0, %c0_i32_0 : i32, i32, i32
  }
  func.func @transform_2(%arg0: i32) -> (i32, i32) {
    %c0_i32 = arith.constant 0 : i32
    %c0_i32_0 = arith.constant 0 : i32
    return %arg0, %c0_i32 : i32, i32
  }
}

</mosaic_0001>

<sc_bundles>
// kernel: kernel.10.cloned.1.call-start
scs
__scs_entry_jumppad:
0x0: {  	(pc) =	sbr.rel $0x88, $3  }
0x1: {  	(tag) =	ssettag $0x0;
	lr =	simm.s32 $0x1  }
0x2: {  	[smem:$0x3F9C] =	sst lr;
	_ =	strace $0xD0000000  }
0x3: {  	_ = 	snop  }
0x4: {  	_ = 	snop  }
0x5: {  	_ = 	snop  }
0x6: {  	_ = 	snop  }
0x7: {  	_ = 	snop  }
__scs_overlays_trampoline_lowered:
0x8: {  	[smem:$0x3FAB] =	sst s0  }
0x9: {  	[smem:$0x3FAC] =	sst s1  }
0xa: {  	[smem:$0x3FAD] =	sst s2  }
0xb: {  	[smem:$0x3FAE] =	sst s3  }
0xc: {  	[smem:$0x3FAF] =	sst s4  }
0xd: {  	[smem:$0x3FB0] =	sst s5  }
0xe: {  	[smem:$0x3FB1] =	sst s6  }
0xf: {  	[smem:$0x3FB2] =	sst s7  }
0x10: {  	[smem:$0x3FB3] =	sst s8  }
0x11: {  	[smem:$0x3FB4] =	sst s9;
	s0 =	simm.s32 @!p0 $0x0  }
0x12: {  	s1 =	sld [smem:$0x3F9A];
	s0 =	simm.s32 @p0 $0x1  }
0x13: {  	[smem:$0x3FB5] =	sst s0;
	s0 =	simm.s32 @!p1 $0x0  }
0x14: {  	s2 =	sld [smem:$0x3F99];
	s0 =	simm.s32 @p1 $0x1  }
0x15: {  	[smem:$0x3FB6] =	sst s0;
	s0 =	simm.s32 @!p2 $0x0  }
0x16: {  	s3 =	sld [smem:$0x3FDB];
	s0 =	simm.s32 @p2 $0x1  }
0x17: {  	s4 =	simm.s32 $0x1BF5;
	[smem:$0x3FB8] =	sst s0  }
0x18: {  	s0 =	sld [smem:$0x3F9B];
	_ =	swait.ge [sflag:s4], $0x0  }
0x19: {  	s7 =	sld [smem:$0x3F9C]  }
0x1a: {  	s8 =	sadd.s32 $0xFFFFE003, lr  }
0x1b: {  	s9 =	sadd.s32 $0xFFFFFEF7, lr;
	s5 =	simm.s32 $0xFFFFFFFF;
	p2 =	slt.u32 s8, $0xFFFFF086  }
0x1c: {  	p1 =	slt.u32 s9, $0xF7A;
	s5 =	simm.s32 @!p2 $0x0  }
0x1d: {  	s5 =	simm.s32 @p1 $0x1;
	p0 =	seq.s32 s7, s2  }
0x1e: {  	s7 =	smul.u32 @!p0 $0xF7A, s2;
	p2 =	seq.s32 @!p0 s5, $0x0  }
0x1f: {  	s9 =	smul.u32 $0xF7A, s1;
	s8 =	simm.s32 @!p0 $0x1BF5;
	p2 =	por !p2, p0  }
0x20: {  	[sflag:s8] =	ssyncset.s32 @!p0 $0xFFFFF086;
	s6 =	sadd.s32 @!p0 s3, s7;
	s7 =	simm.s32 @!p0 $0x108  }
0x21: {  	s3 =	sadd.s32 s3, s9;
	s6 =	sadd.s32 @!p0 $0x88, s6;
	s7 =	simm.s32 @p2 $0x1082  }
0x22: {  	[simem:s7], [sflag:s8] =	dma.local @!p0 [hbm:s6], $0xF7A  }
0x23: {  	s9 =	sor.u32 $0xD0000000, s2;
	s6 =	simm.s32 $0x108;
	_ =	swait.ge @!p0 [sflag:s8], $0x0  }
0x24: {  	s3 =	sadd.s32 $0x88, s3;
	s6 =	simm.s32 @!p1 $0x1082;
	[sflag:s4] =	ssyncset.s32 $0xFFFFF086  }
0x25: {  	[simem:s6], [sflag:s4] =	dma.local [hbm:s3], $0xF7A  }
0x26: {  	[smem:$0x3F9C] =	sst s1;
	(tag) =	ssettag s2;
	_ =	strace s9  }
0x27: {  	s1 =	sld [smem:$0x3FAC]  }
0x28: {  	s2 =	sld [smem:$0x3FAD]  }
0x29: {  	s4 =	sld [smem:$0x3FAF]  }
0x2a: {  	p0 =	seq.s32 s5, $0x0;
	s5 =	sld [smem:$0x3FB0]  }
0x2b: {  	s6 =	sld [smem:$0x3FB1]  }
0x2c: {  	s7 =	sld [smem:$0x3FB2]  }
0x2d: {  	s3 =	simm.s32 $0x108;
	s8 =	sld [smem:$0x3FB3]  }
0x2e: {  	s3 =	simm.s32 @!p0 $0x1082;
	s9 =	sld [smem:$0x3FB4]  }
0x2f: {  	lr =	sadd.s32 s0, s3;
	s0 =	sld [smem:$0x3FAB]  }
0x30: {  	s3 =	sld [smem:$0x3FAE]  }
0x31: {  	[smem:$0x3FB7] =	sst s10  }
0x32: {  	s10 =	sld [smem:$0x3FB5];
	_ =	sdelay $0x3  }
0x33: {  	p0 =	seq.s32 s10, $0x1;
	s10 =	sld [smem:$0x3FB7];
	_ =	sdelay $0x3  }
0x34: {  	[smem:$0x3FB7] =	sst s10  }
0x35: {  	s10 =	sld [smem:$0x3FB6];
	_ =	sdelay $0x3  }
0x36: {  	p1 =	seq.s32 s10, $0x1;
	s10 =	sld [smem:$0x3FB7];
	_ =	sdelay $0x3  }
0x37: {  	[smem:$0x3FB7] =	sst s10  }
0x38: {  	s10 =	sld [smem:$0x3FB8]  }
0x39: {  	_ = 	snop;
	(pc) =	sbr.ind lr, $3  }
0x3a: {  	_ = 	snop  }
0x3b: {  	_ = 	snop  }
0x3c: {  	p2 =	seq.s32 s10, $0x1;
	s10 =	sld [smem:$0x3FB7]  }
0x3d: {  	_ =	shalt  }
0x3e: {  	_ =	shalt  }
0x3f: {  	_ =	shalt  }
0x40: {  	_ =	shalt  }
0x41: {  	_ =	shalt  }
0x42: {  	_ =	shalt  }
0x43: {  	_ =	shalt  }
0x44: {  	_ =	shalt  }
0x45: {  	_ =	shalt  }
0x46: {  	_ =	shalt  }
0x47: {  	_ =	shalt  }
0x48: {  	_ =	shalt  }
0x49: {  	_ =	shalt  }
0x4a: {  	_ =	shalt  }
0x4b: {  	_ =	shalt  }
0x4c: {  	_ =	shalt  }
0x4d: {  	_ =	shalt  }
0x4e: {  	_ =	shalt  }
0x4f: {  	_ =	shalt  }
0x50: {  	_ =	shalt  }
0x51: {  	_ =	shalt  }
0x52: {  	_ =	shalt  }
0x53: {  	_ =	shalt  }
0x54: {  	_ =	shalt  }
0x55: {  	_ =	shalt  }
0x56: {  	_ =	shalt  }
0x57: {  	_ =	shalt  }
0x58: {  	_ =	shalt  }
0x59: {  	_ =	shalt  }
0x5a: {  	_ =	shalt  }
0x5b: {  	_ =	shalt  }
0x5c: {  	_ =	shalt  }
0x5d: {  	_ =	shalt  }
0x5e: {  	_ =	shalt  }
0x5f: {  	_ =	shalt  }
0x60: {  	_ =	shalt  }
0x61: {  	_ =	shalt  }
0x62: {  	_ =	shalt  }
0x63: {  	_ =	shalt  }
0x64: {  	_ =	shalt  }
0x65: {  	_ =	shalt  }
0x66: {  	_ =	shalt  }
0x67: {  	_ =	shalt  }
0x68: {  	_ =	shalt  }
0x69: {  	_ =	shalt  }
0x6a: {  	_ =	shalt  }
0x6b: {  	_ =	shalt  }
0x6c: {  	_ =	shalt  }
0x6d: {  	_ =	shalt  }
0x6e: {  	_ =	shalt  }
0x6f: {  	_ =	shalt  }
0x70: {  	_ =	shalt  }
0x71: {  	_ =	shalt  }
0x72: {  	_ =	shalt  }
0x73: {  	_ =	shalt  }
0x74: {  	_ =	shalt  }
0x75: {  	_ =	shalt  }
0x76: {  	_ =	shalt  }
0x77: {  	_ =	shalt  }
0x78: {  	_ =	shalt  }
0x79: {  	_ =	shalt  }
0x7a: {  	_ =	shalt  }
0x7b: {  	_ =	shalt  }
0x7c: {  	_ =	shalt  }
0x7d: {  	_ =	shalt  }
0x7e: {  	_ =	shalt  }
0x7f: {  	_ =	shalt  }
0x80: {  	_ =	shalt  }
0x81: {  	_ =	shalt  }
0x82: {  	_ =	shalt  }
0x83: {  	_ =	shalt  }
0x84: {  	_ =	shalt  }
0x85: {  	_ =	shalt  }
0x86: {  	_ =	shalt  }
0x87: {  	_ =	shalt  }
.Lfunc_end0:
.L_simem_size_0:
called_computation.1_lowered:
.L_overlay_start_0:
0x88: {  	s2 =	sld [smem:$0x3FD9]  }
0x89: {  	s3 =	sld [smem:$0x3FFE];
	_ =	sdelay $0x1  }
0x8a: {  	s1 =	srdreg.scid  }
0x8b: {  	s0 =	sand.u32 $0x1, s1  }
0x8c: {  	s17 =	sshll.u32 s0, $0xA;
	s2 =	sadd.s32 s3, s2  }
0x8d: {  	s2 =	sadd.s32 s2, s17  }
0x8e: {  	[smem:$0x3FC3] =	sst s2  }
0x8f: {  	_ = 	snop  }
0x90: {  	s2 =	sld [smem:$0x3FD0];
	(tm) =	ssettm $0x1  }
0x91: {  	s18 =	sld [smem:$0x3FFB];
	_ =	sdelay $0x3  }
0x92: {  	_ =	strace s18  }
0x93: {  	s3 =	sld [smem:$0x3FFC];
	_ =	sdelay $0x3  }
0x94: {  	_ =	strace s3  }
0x95: {  	s3 =	sld [smem:$0x3FFD];
	_ =	sdelay $0x3  }
0x96: {  	_ =	strace s3  }
0x97: {  	_ =	strace $0x8FFFFFFF  }
0x98: {  	s19 =	sld [smem:$0x3FDB];
	_ =	sdelay $0x1  }
0x99: {  	s4 =	simm.s32 $_scs_section_size  }
0x9a: {  	s5 =	simm.s32 $_size__tile_overlayer_lowered;
	s6 =	simm.s32 $_tile_overlayer_lowered  }
0x9b: {  	s22 =	simm.s32 $0x1BFF;
	s21 =	sshll.u32 s6, $0x1;
	s3 =	sadd.s32 s4, s19  }
0x9c: {  	s7 =	simm.s32 $0x0;
	s20 =	sshll.u32 s5, $0x1;
	s5 =	sadd.s32 s21, s3  }
0x9d: {  	[timem:s7], [sflag:s22] =	dma.local [hbm:s5], s20  }
0x9e: {  	_ =	swait.ge [sflag:s22], s20  }
0x9f: {  	s4 =	ssub.s32 $0x0, s20;
	[sflag:s22] =	ssyncset.done $0x0  }
0xa0: {  	[sflag:s22] =	ssyncadd.s32 s4;
	_ =	sdelay $0x1  }
0xa1: {  	s23 =	simm.s32 $0x1B8B  }
0xa2: {  	_ =	swait.ge [sflag:s23], $0x1  }
0xa3: {  	[sflag:s23] =	ssyncset.done $0x0  }
0xa4: {  	s25 =	simm.s32 $0x1B8E;
	s24 =	sld [smem:$0x3FFE];
	[sflag:s23] =	ssyncadd.s32 $0xFFFFFFFF  }
0xa5: {  	s26 =	simm.s32 $execute0_lowered;
	[smem:$0x3FD2] =	sst s25  }
0xa6: {  	s5 =	sshll.u32 s26, $0x1;
	_ =	strace $0x80000049;
	[dreg:$0x1] =	wrdreg $0xFFFFFFFF  }
0xa7: {  	s28 =	simm.s32 $_size_execute0_lowered;
	s3 =	sadd.s32 s3, s5;
	[dreg:$0x0] =	wrdreg $0x0  }
0xa8: {  	s5 =	sshll.u32 s28, $0x1;
	[dreg:$0x2] =	wrdreg s3  }
0xa9: {  	[dreg:$0x3] =	wrdreg s5  }
0xaa: {  	[dreg:$0x4] =	wrdreg $0xC0  }
0xab: {  	_ =	task [dreg:s7], $0x5FFFF  }
0xac: {  	[dreg:$0x1] =	wrdreg $0xFFFFFFFF  }
0xad: {  	[dreg:$0x0] =	wrdreg $0x60  }
0xae: {  	[dreg:$0x2] =	wrdreg s24  }
0xaf: {  	[dreg:$0x3] =	wrdreg s2  }
0xb0: {  	[dreg:$0x4] =	wrdreg $0xB1800  }
0xb1: {  	[dreg:$0x5] =	wrdreg $0x9  }
0xb2: {  	_ =	task.clear_ibuf [dreg:s7], $0x6FFFF;
	_ =	strace $0x90000049  }
0xb3: {  	s29 =	simm.s32 $0x9;
	_ =	strace $0x8000004B  }
0xb4: {  	_ =	swait.ge [sflag:s29], $0x1  }
0xb5: {  	[sflag:s29] =	ssyncadd.s32 $0xFFFFFFFF  }
0xb6: {  	_ =	strace $0x9000004B  }
0xb7: {  	_ =	sfence  }
0xb8: {  	s30 =	sld [smem:$0x0];
	_ =	sdelay $0x2  }
0xb9: {  	s31 =	sshll.u32 s1, $0xD;
	s1 =	sshrl.u32 s1, $0x2  }
0xba: {  	s3 =	sand.u32 $0x4000, s31;
	s1 =	sadd.s32 s1, s30  }
0xbb: {  	s0 =	sor.u32 s3, s0;
	s1 =	sshll.u32 s1, $0x11  }
0xbc: {  	s0 =	sor.u32 s1, s0  }
0xbd: {  	s0 =	sadd.s32 $0x8F2B, s0  }
0xbe: {  	[sflag:s0] =	ssyncadd.remote.s32 $0x1  }
0xbf: {  	_ =	sfence.sel $0xFFFF  }
0xc0: {  	[dreg:$0x0] =	wrdreg $0xFFFFFFFF;
	(pc) =	sbr.abs _section_cstart, $3  }
0xc1: {  	[dreg:$0x1] =	wrdreg $0xFFFFFFFF  }
0xc2: {  	_ =	task.clear_ibuf [dreg:s7], $0x2FFFF;
	_ =	strace $0x9FFFFFFF  }
0xc3: {  	(tm) =	ssettm $0x7FFFFFFF  }
tec
execute0_lowered:
.L_overlay_start_1:
0x0: {  	(tag) =	ssettag $0x1  }
0x1: {  	s0 =	srdreg.scid;
	s1 =	rddreg [dreg:$0x0]  }
0x2: {  	s14 =	stileid.u32;
	s7 =	rddreg [dreg:$0x1];
	s4 =	simm.s32 $0x0  }
0x3: {  	s16 =	simm.s32 $0xA;
	s17 =	simm.s32 $0x40;
	s18 =	simm.s32 $0x5180  }
0x4: {  	s19 =	simm.s32 $0x5000;
	s28 =	simm.s32 $0x4;
	s29 =	simm.s32 $0x2  }
0x5: {  	s30 =	simm.s32 $0x5;
	s31 =	simm.s32 $0x3;
	s20 =	simm.s32 $0x8  }
0x6: {  	s0 =	sand.u32 $0x1, s0;
	s8 =	smul.u32 $0x2800, s14;
	[smem:$0x7FF] =	sst s4  }
0x7: {  	s12 =	smul.u32 $0x50000, s14;
	s5 =	sadd.s32 $0x14600, s1;
	s6 =	sadd.s32 $0x17C600, s1  }
0x8: {  	s22 =	sshll.u32 s14, $0x6;
	s2 =	sshll.u32 s0, $0x4;
	s10 =	smul.u32 $0x28000, s0  }
0x9: {  	s0 =	ssub.s32 $0x2, s0;
	s3 =	sor.u32 s14, s2;
	s2 =	rddreg [dreg:$0x2]  }
0xa: {  	_ =	strace $0x8000004A;
	s13 =	sshrl.u32 s0, $0x1;
	s12 =	sshrl.u32 s12, $0x2  }
0xb: {  	s7 =	sadd.s32 s7, s8;
	s3 =	smul.u32 $0x5000, s3;
	s10 =	sadd.s32 s8, s10  }
0xc: {  	s0 =	ssub.s32 s0, s13;
	s21 =	sadd.s32 s12, s2;
	[dreg:$0x4] =	wrdreg s7  }
0xd: {  	s7 =	simm.s32 $0x0;
	s0 =	smax.u32 s0, $0x1;
	s9 =	sshrl.u32 s3, $0x3  }
0xe: {  	[dreg:$0xa] =	wrdreg s0;
	s11 =	sadd.s32 s9, s1;
	s23 =	sadd.s32 s5, s9  }
0xf: {  	s1 =	sadd.s32 s10, s1;
	s10 =	sshrl.u32 s21, $0x3;
	[dreg:$0x5] =	wrdreg s23  }
0x10: {  	s0 =	simm.s32 $0x7;
	s24 =	sadd.s32 $0x168600, s11;
	[dreg:$0xb] =	wrdreg s10  }
0x11: {  	s9 =	sor.u32 $0x1C0A, s22;
	s25 =	sadd.s32 $0x10, s23;
	[dreg:$0x6] =	wrdreg s24  }
0x12: {  	s21 =	simm.s32 $0x7180;
	s26 =	sadd.s32 $0x20, s23;
	[dreg:$0x7] =	wrdreg s25  }
0x13: {  	s22 =	simm.s32 $0x5080;
	s1 =	sadd.s32 $0x28600, s1;
	[dreg:$0x8] =	wrdreg s26  }
0x14: {  	s23 =	simm.s32 $0x9;
	[dreg:$0x9] =	wrdreg s1;
	s24 =	simm.s32 $0x9180  }
0x15: {  	s25 =	simm.s32 $0x5100;
	s26 =	simm.s32 $0x1;
	s1 =	simm.s32 $0x6  }
.LBB2_1:
0x16: {  	s8 =	rddreg [dreg:$0x4]  }
0x17: {  	[spmem:s10], [sflag:s9] =	dma.local [hbm:s8], $0x2800  }
0x18: {  	_ =	swait.ge [sflag:s16], $0x2800  }
0x19: {  	[sflag:s16] =	ssyncset.done $0x0  }
0x1a: {  	s15 =	smov.u32 s9;
	s9 =	rddreg [dreg:$0x6];
	[sflag:s16] =	ssyncadd.s32 $0xFFFFD800  }
0x1b: {  	[tilespmem:s4], [sflag:$0xA] =	stream.linear.gather [hbm4b:s9+s4], $0x4F80, $0x38;
	[tilespmem:$0x1F180] =	vst v63  }
0x1c: {  	_ =	swait.ge [sflag:s16], $0x4F80  }
0x1d: {  	[sflag:s16] =	ssyncset.done $0x0  }
0x1e: {  	[sflag:s16] =	ssyncadd.s32 $0xFFFFB080  }
0x1f: {  	[bflag:$0x0] =	sbarrier.arrive $0xFFFF  }
0x20: {  	[tilespmem:s18], [sflag:$0x1] =	stream.indirect.gather [hbm4b:s6+s17], $0x80, s4, s17, $0xb8;
	[tilespmem:$0x1F180] =	vst v63  }
0x21: {  	s10 =	rddreg [dreg:$0x5]  }
0x22: {  	[tilespmem:s19], [sflag:$0x4] =	stream.linear.gather [hbm4b:s10+s4], $0x80, $0x38;
	[tilespmem:$0x1F180] =	vst v63  }
0x23: {  	s11 =	simm.s32 $0x80  }
0x24: {  	[tilespmem:s21], [sflag:$0x2] =	stream.indirect.gather [hbm4b:s6+s17], $0x80, s11, s17, $0xb8;
	[tilespmem:$0x1F180] =	vst v63  }
0x25: {  	s12 =	rddreg [dreg:$0x7]  }
0x26: {  	[tilespmem:s22], [sflag:$0x5] =	stream.linear.gather [hbm4b:s12+s4], $0x80, $0x38;
	[tilespmem:$0x1F180] =	vst v63  }
0x27: {  	s13 =	simm.s32 $0x100  }
0x28: {  	[tilespmem:s24], [sflag:$0x3] =	stream.indirect.gather [hbm4b:s6+s17], $0x80, s13, s17, $0xb8;
	[tilespmem:$0x1F180] =	vst v63  }
0x29: {  	s14 =	rddreg [dreg:$0x8]  }
0x2a: {  	[tilespmem:s25], [sflag:$0x6] =	stream.linear.gather [hbm4b:s14+s4], $0x80, $0x38;
	[tilespmem:$0x1F180] =	vst v63  }
0x2b: {  	_ =	swait.ge [sflag:s26], $0x2000  }
0x2c: {  	[sflag:s26] =	ssyncset.done $0x0  }
0x2d: {  	[sflag:s26] =	ssyncadd.s32 $0xFFFFE000  }
0x2e: {  	_ =	swait.ge [sflag:s28], $0x80  }
0x2f: {  	[sflag:s28] =	ssyncset.done $0x0  }
0x30: {  	[sflag:s28] =	ssyncadd.s32 $0xFFFFFF80  }
0x31: {  	[spmem:s2] =	stream.indirect.scatter.add.f32 [tilespmem:s18], [sflag:$0x7], $0x80, s19, s17, $0xb8;
	[tilespmem:$0x1F180] =	vst v63  }
0x32: {  	_ =	swait.ge [sflag:s29], $0x2000  }
0x33: {  	[sflag:s29] =	ssyncset.done $0x0  }
0x34: {  	[sflag:s29] =	ssyncadd.s32 $0xFFFFE000  }
0x35: {  	_ =	swait.ge [sflag:s30], $0x80  }
0x36: {  	[sflag:s30] =	ssyncset.done $0x0  }
0x37: {  	[sflag:s30] =	ssyncadd.s32 $0xFFFFFF80  }
0x38: {  	[spmem:s2] =	stream.indirect.scatter.add.f32 [tilespmem:s21], [sflag:$0x8], $0x80, s22, s17, $0xb8;
	[tilespmem:$0x1F180] =	vst v63  }
0x39: {  	_ =	swait.ge [sflag:s31], $0x2000  }
0x3a: {  	[sflag:s31] =	ssyncset.done $0x0  }
0x3b: {  	[sflag:s31] =	ssyncadd.s32 $0xFFFFE000  }
0x3c: {  	_ =	swait.ge [sflag:s1], $0x80  }
0x3d: {  	s8 =	simm.s32 $0x180;
	[sflag:s1] =	ssyncset.done $0x0  }
0x3e: {  	s11 =	sand.u32 $0xFC00, s8;
	[sflag:s1] =	ssyncadd.s32 $0xFFFFFF80  }
0x3f: {  	[spmem:s2] =	stream.indirect.scatter.add.f32 [tilespmem:s24], [sflag:$0x9], $0x80, s25, s17, $0xb8;
	[tilespmem:$0x1F180] =	vst v63  }
0x40: {  	s10 =	sand.u32 $0x380, s8;
	s11 =	sadd.s32 s3, s11;
	_ =	swait.ge [sflag:s0], $0x2000  }
0x41: {  	s9 =	simm.s32 $0x180;
	s10 =	sor.u32 s10, s11;
	[sflag:s0] =	ssyncset.done $0x0  }
0x42: {  	s12 =	simm.s32 $0x200;
	s10 =	sshrl.u32 s10, $0x3;
	[sflag:s0] =	ssyncadd.s32 $0xFFFFE000  }
0x43: {  	[tilespmem:s18], [sflag:$0x1] =	stream.indirect.gather [hbm4b:s6+s17], $0x80, s9, s17, $0xb8;
	[tilespmem:$0x1F180] =	vst v63  }
0x44: {  	s10 =	sadd.s32 s5, s10;
	s13 =	sand.u32 $0xFC00, s12  }
0x45: {  	[tilespmem:s19], [sflag:$0x4] =	stream.linear.gather [hbm4b:s10+s4], $0x80, $0x38;
	[tilespmem:$0x1F180] =	vst v63  }
0x46: {  	s11 =	sand.u32 $0x380, s12;
	s10 =	sadd.s32 s3, s13;
	_ =	swait.ge [sflag:s20], $0x2000  }
0x47: {  	s12 =	simm.s32 $0x200;
	s11 =	sor.u32 s11, s10;
	[sflag:s20] =	ssyncset.done $0x0  }
0x48: {  	s10 =	simm.s32 $0x280;
	s11 =	sshrl.u32 s11, $0x3;
	[sflag:s20] =	ssyncadd.s32 $0xFFFFE000  }
0x49: {  	[tilespmem:s21], [sflag:$0x2] =	stream.indirect.gather [hbm4b:s6+s17], $0x80, s12, s17, $0xb8;
	[tilespmem:$0x1F180] =	vst v63  }
0x4a: {  	s14 =	sand.u32 $0xFC00, s10;
	s11 =	sadd.s32 s5, s11  }
0x4b: {  	[tilespmem:s22], [sflag:$0x5] =	stream.linear.gather [hbm4b:s11+s4], $0x80, $0x38;
	[tilespmem:$0x1F180] =	vst v63  }
0x4c: {  	s13 =	sand.u32 $0x380, s10;
	s12 =	sadd.s32 s3, s14;
	_ =	swait.ge [sflag:s23], $0x2000  }
0x4d: {  	s12 =	sor.u32 s13, s12;
	s11 =	simm.s32 $0x400;
	[sflag:s23] =	ssyncset.done $0x0  }
0x4e: {  	s14 =	sshrl.u32 s12, $0x3;
	s12 =	simm.s32 $0x400;
	[sflag:s23] =	ssyncadd.s32 $0xFFFFE000  }
.LBB2_2:
0x4f: {  	[tilespmem:s24], [sflag:$0x3] =	stream.indirect.gather [hbm4b:s6+s17], $0x80, s10, s17, $0xb8;
	[tilespmem:$0x1F180] =	vst v63  }
0x50: {  	s13 =	smov.u32 s11;
	s10 =	smov.u32 s12  }
0x51: {  	p0 =	sne.s32 s11, $0x4F00;
	s11 =	sadd.s32 $0x180, s11;
	s14 =	sadd.s32 s5, s14  }
0x52: {  	[tilespmem:s25], [sflag:$0x6] =	stream.linear.gather [hbm4b:s14+s4], $0x80, $0x38;
	[tilespmem:$0x1F180] =	vst v63  }
0x53: {  	_ =	swait.ge [sflag:s26], $0x2000  }
0x54: {  	[sflag:s26] =	ssyncset.done $0x0  }
0x55: {  	[sflag:s26] =	ssyncadd.s32 $0xFFFFE000  }
0x56: {  	_ =	swait.ge [sflag:s28], $0x80  }
0x57: {  	[sflag:s28] =	ssyncset.done $0x0  }
0x58: {  	[sflag:s28] =	ssyncadd.s32 $0xFFFFFF80  }
0x59: {  	[spmem:s2] =	stream.indirect.scatter.add.f32 [tilespmem:s18], [sflag:$0x7], $0x80, s19, s17, $0xb8;
	[tilespmem:$0x1F180] =	vst v63  }
0x5a: {  	_ =	swait.ge [sflag:s29], $0x2000  }
0x5b: {  	[sflag:s29] =	ssyncset.done $0x0  }
0x5c: {  	[sflag:s29] =	ssyncadd.s32 $0xFFFFE000  }
0x5d: {  	_ =	swait.ge [sflag:s30], $0x80  }
0x5e: {  	[sflag:s30] =	ssyncset.done $0x0  }
0x5f: {  	[sflag:s30] =	ssyncadd.s32 $0xFFFFFF80  }
0x60: {  	[spmem:s2] =	stream.indirect.scatter.add.f32 [tilespmem:s21], [sflag:$0x8], $0x80, s22, s17, $0xb8;
	[tilespmem:$0x1F180] =	vst v63  }
0x61: {  	_ =	swait.ge [sflag:s31], $0x2000  }
0x62: {  	[sflag:s31] =	ssyncset.done $0x0  }
0x63: {  	[sflag:s31] =	ssyncadd.s32 $0xFFFFE000  }
0x64: {  	_ =	swait.ge [sflag:s1], $0x80  }
0x65: {  	s14 =	sadd.s32 $0xFFFFFF00, s13;
	[sflag:s1] =	ssyncset.done $0x0  }
0x66: {  	s8 =	sand.u32 $0xFC00, s14;
	[sflag:s1] =	ssyncadd.s32 $0xFFFFFF80  }
0x67: {  	[spmem:s2] =	stream.indirect.scatter.add.f32 [tilespmem:s24], [sflag:$0x9], $0x80, s25, s17, $0xb8;
	[tilespmem:$0x1F180] =	vst v63  }
0x68: {  	s14 =	sand.u32 $0x380, s14;
	s8 =	sadd.s32 s3, s8;
	_ =	swait.ge [sflag:s0], $0x2000  }
0x69: {  	s9 =	sadd.s32 $0xFFFFFF00, s12;
	s8 =	sor.u32 s14, s8;
	[sflag:s0] =	ssyncset.done $0x0  }
0x6a: {  	s8 =	sshrl.u32 s8, $0x3;
	[sflag:s0] =	ssyncadd.s32 $0xFFFFE000  }
0x6b: {  	[tilespmem:s18], [sflag:$0x1] =	stream.indirect.gather [hbm4b:s6+s17], $0x80, s9, s17, $0xb8;
	[tilespmem:$0x1F180] =	vst v63  }
0x6c: {  	s8 =	sadd.s32 s5, s8;
	s9 =	sadd.s32 $0xFFFFFF80, s13  }
0x6d: {  	[tilespmem:s19], [sflag:$0x4] =	stream.linear.gather [hbm4b:s8+s4], $0x80, $0x38;
	[tilespmem:$0x1F180] =	vst v63  }
0x6e: {  	s8 =	sand.u32 $0xFC00, s9;
	s9 =	sand.u32 $0x380, s9;
	_ =	swait.ge [sflag:s20], $0x2000  }
0x6f: {  	s8 =	sadd.s32 s3, s8;
	[sflag:s20] =	ssyncset.done $0x0  }
0x70: {  	s14 =	sadd.s32 $0xFFFFFF80, s12;
	s8 =	sor.u32 s9, s8;
	[sflag:s20] =	ssyncadd.s32 $0xFFFFE000  }
0x71: {  	[tilespmem:s21], [sflag:$0x2] =	stream.indirect.gather [hbm4b:s6+s17], $0x80, s14, s17, $0xb8;
	[tilespmem:$0x1F180] =	vst v63  }
0x72: {  	s8 =	sshrl.u32 s8, $0x3  }
.Ltmp0:
0x73: {  	s9 =	sand.u32 $0xFC00, s13;
	s8 =	sadd.s32 s5, s8;
	(pc) =	sbr.rel @p0 .LBB2_2-.Ltmp0, $4  }
0x74: {  	[tilespmem:s22], [sflag:$0x5] =	stream.linear.gather [hbm4b:s8+s4], $0x80, $0x38;
	[tilespmem:$0x1F180] =	vst v63  }
0x75: {  	s8 =	sadd.s32 s3, s9;
	s9 =	sand.u32 $0x380, s13;
	_ =	swait.ge [sflag:s23], $0x2000  }
0x76: {  	s8 =	sor.u32 s9, s8;
	[sflag:s23] =	ssyncset.done $0x0  }
0x77: {  	s12 =	sadd.s32 $0x180, s12;
	s14 =	sshrl.u32 s8, $0x3;
	[sflag:s23] =	ssyncadd.s32 $0xFFFFE000  }
0x78: {  	[tilespmem:s24], [sflag:$0x3] =	stream.indirect.gather [hbm4b:s6+s17], $0x80, s10, s17, $0xb8;
	[tilespmem:$0x1F180] =	vst v63  }
0x79: {  	s8 =	sadd.s32 s5, s14  }
0x7a: {  	[tilespmem:s25], [sflag:$0x6] =	stream.linear.gather [hbm4b:s8+s4], $0x80, $0x38;
	[tilespmem:$0x1F180] =	vst v63  }
0x7b: {  	_ =	swait.ge [sflag:s26], $0x2000  }
0x7c: {  	[sflag:s26] =	ssyncset.done $0x0  }
0x7d: {  	[sflag:s26] =	ssyncadd.s32 $0xFFFFE000  }
0x7e: {  	_ =	swait.ge [sflag:s28], $0x80  }
0x7f: {  	[sflag:s28] =	ssyncset.done $0x0  }
0x80: {  	[sflag:s28] =	ssyncadd.s32 $0xFFFFFF80  }
0x81: {  	[spmem:s2] =	stream.indirect.scatter.add.f32 [tilespmem:s18], [sflag:$0x7], $0x80, s19, s17, $0xb8;
	[tilespmem:$0x1F180] =	vst v63  }
0x82: {  	_ =	swait.ge [sflag:s29], $0x2000  }
0x83: {  	[sflag:s29] =	ssyncset.done $0x0  }
0x84: {  	[sflag:s29] =	ssyncadd.s32 $0xFFFFE000  }
0x85: {  	_ =	swait.ge [sflag:s30], $0x80  }
0x86: {  	[sflag:s30] =	ssyncset.done $0x0  }
0x87: {  	[sflag:s30] =	ssyncadd.s32 $0xFFFFFF80  }
0x88: {  	[spmem:s2] =	stream.indirect.scatter.add.f32 [tilespmem:s21], [sflag:$0x8], $0x80, s22, s17, $0xb8;
	[tilespmem:$0x1F180] =	vst v63  }
0x89: {  	_ =	swait.ge [sflag:s31], $0x2000  }
0x8a: {  	[sflag:s31] =	ssyncset.done $0x0  }
0x8b: {  	[sflag:s31] =	ssyncadd.s32 $0xFFFFE000  }
0x8c: {  	_ =	swait.ge [sflag:s1], $0x80  }
0x8d: {  	[sflag:s1] =	ssyncset.done $0x0  }
0x8e: {  	[sflag:s1] =	ssyncadd.s32 $0xFFFFFF80  }
0x8f: {  	[spmem:s2] =	stream.indirect.scatter.add.f32 [tilespmem:s24], [sflag:$0x9], $0x80, s25, s17, $0xb8;
	[tilespmem:$0x1F180] =	vst v63  }
0x90: {  	_ =	swait.ge [sflag:s0], $0x2000  }
0x91: {  	[sflag:s0] =	ssyncset.done $0x0  }
0x92: {  	[sflag:s0] =	ssyncadd.s32 $0xFFFFE000  }
0x93: {  	_ =	swait.ge [sflag:s20], $0x2000  }
0x94: {  	[sflag:s20] =	ssyncset.done $0x0  }
0x95: {  	[sflag:s20] =	ssyncadd.s32 $0xFFFFE000  }
0x96: {  	_ =	swait.ge [sflag:s23], $0x2000  }
0x97: {  	[sflag:s23] =	ssyncset.done $0x0  }
0x98: {  	[sflag:s23] =	ssyncadd.s32 $0xFFFFE000  }
0x99: {  	[bflag:$0x0] =	sbarrier.arrive $0xFFFF  }
0x9a: {  	s14 =	rddreg [dreg:$0x9]  }
0x9b: {  	s10 =	rddreg [dreg:$0xb]  }
0x9c: {  	[hbm:s14], [sflag:s15] =	dma.local [spmem:s10], $0x2800  }
0x9d: {  	_ =	swait.ge [sflag:s16], $0x2800  }
0x9e: {  	s9 =	smov.u32 s15;
	s7 =	sadd.s32 $0x1, s7;
	s15 =	rddreg [dreg:$0xa]  }
0x9f: {  	p0 =	sne.s32 s7, s15  }
.Ltmp1:
0xa0: {  	_ = 	snop;
	(pc) =	sbr.rel @p0 .LBB2_1-.Ltmp1, $3  }
0xa1: {  	_ =	sdelay $0x1  }
0xa2: {  	[sflag:s16] =	ssyncset.done $0x0  }
0xa3: {  	[sflag:s16] =	ssyncadd.s32 $0xFFFFD800  }
0xa4: {  	_ =	sfence.sel $0x180000  }
0xa5: {  	[bflag:$0x0] =	sbarrier.arrive $0xFFFF  }
0xa6: {  	_ =	strace $0x9000004A  }
0xa7: {  	s0 =	stileid.u32;
	[bflag:$0x2] =	sbarrier.arrive $0xFFFF  }
0xa8: {  	p0 =	sne.s32 s0, $0x0;
	s0 =	rddreg [dreg:$0x3]  }
0xa9: {  	s0 =	sadd.s32 @!p0 $0x100000, s0  }
0xaa: {  	[sflag:s0] =	ssyncadd.tile.s32 @!p0 $0x1;
	_ =	shalt  }
.Lfunc_end2:
_tile_overlayer_lowered:
.L_overlay_start_2:
0xab: {  	(tag) =	ssettag $0x2  }
0xac: {  	s0 =	rddreg [dreg:$0x0];
	s2 =	stileid.u32  }
0xad: {  	s1 =	rddreg [dreg:$0x1];
	p0 =	sne.s32 s2, $0x0  }
0xae: {  	s3 =	rddreg [dreg:$0x2];
	[bflag:$0x3] =	sbarrier.arrive $0xFFFF;
	s2 =	simm.s32 @!p0 $0x1C0A  }
0xaf: {  	[timem:s3], [sflag:s2] =	dma.local @!p0 [hbm:s0], s1  }
0xb0: {  	s0 =	simm.s32 @!p0 $0xA  }
0xb1: {  	_ =	swait.ge @!p0 [sflag:s0], s1  }
0xb2: {  	s1 =	ssub.s32 @!p0 $0x0, s1;
	[sflag:s0] =	ssyncset.done @!p0 $0x0  }
0xb3: {  	[sflag:s0] =	ssyncadd.s32 @!p0 s1  }
0xb4: {  	[bflag:$0x3] =	sbarrier.arrive $0xFFFF  }
0xb5: {  	_ =	shalt  }

// kernel: kernel.7.cloned.1.call-start
scs
__scs_entry_jumppad:
0x0: {  	(pc) =	sbr.rel $0x88, $3  }
0x1: {  	(tag) =	ssettag $0x0;
	lr =	simm.s32 $0x1  }
0x2: {  	[smem:$0x3F9C] =	sst lr;
	_ =	strace $0xD0000000  }
0x3: {  	_ = 	snop  }
0x4: {  	_ = 	snop  }
0x5: {  	_ = 	snop  }
0x6: {  	_ = 	snop  }
0x7: {  	_ = 	snop  }
__scs_overlays_trampoline_lowered:
0x8: {  	[smem:$0x3FAB] =	sst s0  }
0x9: {  	[smem:$0x3FAC] =	sst s1  }
0xa: {  	[smem:$0x3FAD] =	sst s2  }
0xb: {  	[smem:$0x3FAE] =	sst s3  }
0xc: {  	[smem:$0x3FAF] =	sst s4  }
0xd: {  	[smem:$0x3FB0] =	sst s5  }
0xe: {  	[smem:$0x3FB1] =	sst s6  }
0xf: {  	[smem:$0x3FB2] =	sst s7  }
0x10: {  	[smem:$0x3FB3] =	sst s8  }
0x11: {  	[smem:$0x3FB4] =	sst s9;
	s0 =	simm.s32 @!p0 $0x0  }
0x12: {  	s1 =	sld [smem:$0x3F9A];
	s0 =	simm.s32 @p0 $0x1  }
0x13: {  	[smem:$0x3FB5] =	sst s0;
	s0 =	simm.s32 @!p1 $0x0  }
0x14: {  	s2 =	sld [smem:$0x3F99];
	s0 =	simm.s32 @p1 $0x1  }
0x15: {  	[smem:$0x3FB6] =	sst s0;
	s0 =	simm.s32 @!p2 $0x0  }
0x16: {  	s3 =	sld [smem:$0x3FDB];
	s0 =	simm.s32 @p2 $0x1  }
0x17: {  	s4 =	simm.s32 $0x1BF5;
	[smem:$0x3FB8] =	sst s0  }
0x18: {  	s0 =	sld [smem:$0x3F9B];
	_ =	swait.ge [sflag:s4], $0x0  }
0x19: {  	s7 =	sld [smem:$0x3F9C]  }
0x1a: {  	s8 =	sadd.s32 $0xFFFFE003, lr  }
0x1b: {  	s9 =	sadd.s32 $0xFFFFFEF7, lr;
	s5 =	simm.s32 $0xFFFFFFFF;
	p2 =	slt.u32 s8, $0xFFFFF086  }
0x1c: {  	p1 =	slt.u32 s9, $0xF7A;
	s5 =	simm.s32 @!p2 $0x0  }
0x1d: {  	s5 =	simm.s32 @p1 $0x1;
	p0 =	seq.s32 s7, s2  }
0x1e: {  	s7 =	smul.u32 @!p0 $0xF7A, s2;
	p2 =	seq.s32 @!p0 s5, $0x0  }
0x1f: {  	s9 =	smul.u32 $0xF7A, s1;
	s8 =	simm.s32 @!p0 $0x1BF5;
	p2 =	por !p2, p0  }
0x20: {  	[sflag:s8] =	ssyncset.s32 @!p0 $0xFFFFF086;
	s6 =	sadd.s32 @!p0 s3, s7;
	s7 =	simm.s32 @!p0 $0x108  }
0x21: {  	s3 =	sadd.s32 s3, s9;
	s6 =	sadd.s32 @!p0 $0x88, s6;
	s7 =	simm.s32 @p2 $0x1082  }
0x22: {  	[simem:s7], [sflag:s8] =	dma.local @!p0 [hbm:s6], $0xF7A  }
0x23: {  	s9 =	sor.u32 $0xD0000000, s2;
	s6 =	simm.s32 $0x108;
	_ =	swait.ge @!p0 [sflag:s8], $0x0  }
0x24: {  	s3 =	sadd.s32 $0x88, s3;
	s6 =	simm.s32 @!p1 $0x1082;
	[sflag:s4] =	ssyncset.s32 $0xFFFFF086  }
0x25: {  	[simem:s6], [sflag:s4] =	dma.local [hbm:s3], $0xF7A  }
0x26: {  	[smem:$0x3F9C] =	sst s1;
	(tag) =	ssettag s2;
	_ =	strace s9  }
0x27: {  	s1 =	sld [smem:$0x3FAC]  }
0x28: {  	s2 =	sld [smem:$0x3FAD]  }
0x29: {  	s4 =	sld [smem:$0x3FAF]  }
0x2a: {  	p0 =	seq.s32 s5, $0x0;
	s5 =	sld [smem:$0x3FB0]  }
0x2b: {  	s6 =	sld [smem:$0x3FB1]  }
0x2c: {  	s7 =	sld [smem:$0x3FB2]  }
0x2d: {  	s3 =	simm.s32 $0x108;
	s8 =	sld [smem:$0x3FB3]  }
0x2e: {  	s3 =	simm.s32 @!p0 $0x1082;
	s9 =	sld [smem:$0x3FB4]  }
0x2f: {  	lr =	sadd.s32 s0, s3;
	s0 =	sld [smem:$0x3FAB]  }
0x30: {  	s3 =	sld [smem:$0x3FAE]  }
0x31: {  	[smem:$0x3FB7] =	sst s10  }
0x32: {  	s10 =	sld [smem:$0x3FB5];
	_ =	sdelay $0x3  }
0x33: {  	p0 =	seq.s32 s10, $0x1;
	s10 =	sld [smem:$0x3FB7];
	_ =	sdelay $0x3  }
0x34: {  	[smem:$0x3FB7] =	sst s10  }
0x35: {  	s10 =	sld [smem:$0x3FB6];
	_ =	sdelay $0x3  }
0x36: {  	p1 =	seq.s32 s10, $0x1;
	s10 =	sld [smem:$0x3FB7];
	_ =	sdelay $0x3  }
0x37: {  	[smem:$0x3FB7] =	sst s10  }
0x38: {  	s10 =	sld [smem:$0x3FB8]  }
0x39: {  	_ = 	snop;
	(pc) =	sbr.ind lr, $3  }
0x3a: {  	_ = 	snop  }
0x3b: {  	_ = 	snop  }
0x3c: {  	p2 =	seq.s32 s10, $0x1;
	s10 =	sld [smem:$0x3FB7]  }
0x3d: {  	_ =	shalt  }
0x3e: {  	_ =	shalt  }
0x3f: {  	_ =	shalt  }
0x40: {  	_ =	shalt  }
0x41: {  	_ =	shalt  }
0x42: {  	_ =	shalt  }
0x43: {  	_ =	shalt  }
0x44: {  	_ =	shalt  }
0x45: {  	_ =	shalt  }
0x46: {  	_ =	shalt  }
0x47: {  	_ =	shalt  }
0x48: {  	_ =	shalt  }
0x49: {  	_ =	shalt  }
0x4a: {  	_ =	shalt  }
0x4b: {  	_ =	shalt  }
0x4c: {  	_ =	shalt  }
0x4d: {  	_ =	shalt  }
0x4e: {  	_ =	shalt  }
0x4f: {  	_ =	shalt  }
0x50: {  	_ =	shalt  }
0x51: {  	_ =	shalt  }
0x52: {  	_ =	shalt  }
0x53: {  	_ =	shalt  }
0x54: {  	_ =	shalt  }
0x55: {  	_ =	shalt  }
0x56: {  	_ =	shalt  }
0x57: {  	_ =	shalt  }
0x58: {  	_ =	shalt  }
0x59: {  	_ =	shalt  }
0x5a: {  	_ =	shalt  }
0x5b: {  	_ =	shalt  }
0x5c: {  	_ =	shalt  }
0x5d: {  	_ =	shalt  }
0x5e: {  	_ =	shalt  }
0x5f: {  	_ =	shalt  }
0x60: {  	_ =	shalt  }
0x61: {  	_ =	shalt  }
0x62: {  	_ =	shalt  }
0x63: {  	_ =	shalt  }
0x64: {  	_ =	shalt  }
0x65: {  	_ =	shalt  }
0x66: {  	_ =	shalt  }
0x67: {  	_ =	shalt  }
0x68: {  	_ =	shalt  }
0x69: {  	_ =	shalt  }
0x6a: {  	_ =	shalt  }
0x6b: {  	_ =	shalt  }
0x6c: {  	_ =	shalt  }
0x6d: {  	_ =	shalt  }
0x6e: {  	_ =	shalt  }
0x6f: {  	_ =	shalt  }
0x70: {  	_ =	shalt  }
0x71: {  	_ =	shalt  }
0x72: {  	_ =	shalt  }
0x73: {  	_ =	shalt  }
0x74: {  	_ =	shalt  }
0x75: {  	_ =	shalt  }
0x76: {  	_ =	shalt  }
0x77: {  	_ =	shalt  }
0x78: {  	_ =	shalt  }
0x79: {  	_ =	shalt  }
0x7a: {  	_ =	shalt  }
0x7b: {  	_ =	shalt  }
0x7c: {  	_ =	shalt  }
0x7d: {  	_ =	shalt  }
0x7e: {  	_ =	shalt  }
0x7f: {  	_ =	shalt  }
0x80: {  	_ =	shalt  }
0x81: {  	_ =	shalt  }
0x82: {  	_ =	shalt  }
0x83: {  	_ =	shalt  }
0x84: {  	_ =	shalt  }
0x85: {  	_ =	shalt  }
0x86: {  	_ =	shalt  }
0x87: {  	_ =	shalt  }
.Lfunc_end0:
.L_simem_size_0:
called_computation_lowered:
.L_overlay_start_0:
0x88: {  	s2 =	sld [smem:$0x3FD9]  }
0x89: {  	s3 =	sld [smem:$0x3FFE];
	_ =	sdelay $0x1  }
0x8a: {  	s1 =	srdreg.scid  }
0x8b: {  	s0 =	sand.u32 $0x1, s1  }
0x8c: {  	s17 =	sshll.u32 s0, $0xA;
	s2 =	sadd.s32 s3, s2  }
0x8d: {  	s2 =	sadd.s32 s2, s17  }
0x8e: {  	[smem:$0x3FC3] =	sst s2  }
0x8f: {  	_ = 	snop  }
0x90: {  	s2 =	sld [smem:$0x3FD0];
	(tm) =	ssettm $0x1  }
0x91: {  	s18 =	sld [smem:$0x3FFB];
	_ =	sdelay $0x3  }
0x92: {  	_ =	strace s18  }
0x93: {  	s3 =	sld [smem:$0x3FFC];
	_ =	sdelay $0x3  }
0x94: {  	_ =	strace s3  }
0x95: {  	s3 =	sld [smem:$0x3FFD];
	_ =	sdelay $0x3  }
0x96: {  	_ =	strace s3  }
0x97: {  	_ =	strace $0x8FFFFFFF  }
0x98: {  	s19 =	sld [smem:$0x3FDB];
	_ =	sdelay $0x1  }
0x99: {  	s4 =	simm.s32 $_scs_section_size  }
0x9a: {  	s5 =	simm.s32 $_size__tile_overlayer_lowered;
	s6 =	simm.s32 $_tile_overlayer_lowered  }
0x9b: {  	s22 =	simm.s32 $0x1BFF;
	s21 =	sshll.u32 s6, $0x1;
	s3 =	sadd.s32 s4, s19  }
0x9c: {  	s7 =	simm.s32 $0x0;
	s20 =	sshll.u32 s5, $0x1;
	s5 =	sadd.s32 s21, s3  }
0x9d: {  	[timem:s7], [sflag:s22] =	dma.local [hbm:s5], s20  }
0x9e: {  	_ =	swait.ge [sflag:s22], s20  }
0x9f: {  	s4 =	ssub.s32 $0x0, s20;
	[sflag:s22] =	ssyncset.done $0x0  }
0xa0: {  	[sflag:s22] =	ssyncadd.s32 s4;
	_ =	sdelay $0x1  }
0xa1: {  	s23 =	simm.s32 $0x1B8B  }
0xa2: {  	_ =	swait.ge [sflag:s23], $0x1  }
0xa3: {  	[sflag:s23] =	ssyncset.done $0x0  }
0xa4: {  	s25 =	simm.s32 $0x1B8E;
	s24 =	sld [smem:$0x3FFE];
	[sflag:s23] =	ssyncadd.s32 $0xFFFFFFFF  }
0xa5: {  	s26 =	simm.s32 $execute0_lowered;
	[smem:$0x3FD2] =	sst s25  }
0xa6: {  	s5 =	sshll.u32 s26, $0x1;
	_ =	strace $0x80000046;
	[dreg:$0x1] =	wrdreg $0xFFFFFFFF  }
0xa7: {  	s28 =	simm.s32 $_size_execute0_lowered;
	s3 =	sadd.s32 s3, s5;
	[dreg:$0x0] =	wrdreg $0x0  }
0xa8: {  	s5 =	sshll.u32 s28, $0x1;
	[dreg:$0x2] =	wrdreg s3  }
0xa9: {  	[dreg:$0x3] =	wrdreg s5  }
0xaa: {  	[dreg:$0x4] =	wrdreg $0xC0  }
0xab: {  	_ =	task [dreg:s7], $0x5FFFF  }
0xac: {  	[dreg:$0x1] =	wrdreg $0xFFFFFFFF  }
0xad: {  	[dreg:$0x0] =	wrdreg $0x60  }
0xae: {  	[dreg:$0x2] =	wrdreg s24  }
0xaf: {  	[dreg:$0x3] =	wrdreg s2  }
0xb0: {  	[dreg:$0x4] =	wrdreg $0xB1800  }
0xb1: {  	[dreg:$0x5] =	wrdreg $0x9  }
0xb2: {  	_ =	task.clear_ibuf [dreg:s7], $0x6FFFF;
	_ =	strace $0x90000046  }
0xb3: {  	s29 =	simm.s32 $0x9;
	_ =	strace $0x80000048  }
0xb4: {  	_ =	swait.ge [sflag:s29], $0x1  }
0xb5: {  	[sflag:s29] =	ssyncadd.s32 $0xFFFFFFFF  }
0xb6: {  	_ =	strace $0x90000048  }
0xb7: {  	_ =	sfence  }
0xb8: {  	s30 =	sld [smem:$0x0];
	_ =	sdelay $0x2  }
0xb9: {  	s31 =	sshll.u32 s1, $0xD;
	s1 =	sshrl.u32 s1, $0x2  }
0xba: {  	s3 =	sand.u32 $0x4000, s31;
	s1 =	sadd.s32 s1, s30  }
0xbb: {  	s0 =	sor.u32 s3, s0;
	s1 =	sshll.u32 s1, $0x11  }
0xbc: {  	s0 =	sor.u32 s1, s0  }
0xbd: {  	s0 =	sadd.s32 $0x8F2B, s0  }
0xbe: {  	[sflag:s0] =	ssyncadd.remote.s32 $0x1  }
0xbf: {  	_ =	sfence.sel $0xFFFF  }
0xc0: {  	[dreg:$0x0] =	wrdreg $0xFFFFFFFF;
	(pc) =	sbr.abs _section_cstart, $3  }
0xc1: {  	[dreg:$0x1] =	wrdreg $0xFFFFFFFF  }
0xc2: {  	_ =	task.clear_ibuf [dreg:s7], $0x2FFFF;
	_ =	strace $0x9FFFFFFF  }
0xc3: {  	(tm) =	ssettm $0x7FFFFFFF  }
tec
execute0_lowered:
.L_overlay_start_1:
0x0: {  	(tag) =	ssettag $0x1  }
0x1: {  	s0 =	srdreg.scid;
	s1 =	rddreg [dreg:$0x0]  }
0x2: {  	s14 =	stileid.u32;
	s7 =	rddreg [dreg:$0x1];
	s4 =	simm.s32 $0x0  }
0x3: {  	s16 =	simm.s32 $0xA;
	s17 =	simm.s32 $0x40;
	s18 =	simm.s32 $0x5180  }
0x4: {  	s19 =	simm.s32 $0x5000;
	s28 =	simm.s32 $0x4;
	s29 =	simm.s32 $0x2  }
0x5: {  	s30 =	simm.s32 $0x5;
	s31 =	simm.s32 $0x3;
	s20 =	simm.s32 $0x8  }
0x6: {  	s0 =	sand.u32 $0x1, s0;
	s8 =	smul.u32 $0x2800, s14;
	[smem:$0x7FF] =	sst s4  }
0x7: {  	s12 =	smul.u32 $0x50000, s14;
	s5 =	sadd.s32 $0x14600, s1;
	s6 =	sadd.s32 $0x28600, s1  }
0x8: {  	s22 =	sshll.u32 s14, $0x6;
	s2 =	sshll.u32 s0, $0x4;
	s10 =	smul.u32 $0x28000, s0  }
0x9: {  	s0 =	ssub.s32 $0x2, s0;
	s3 =	sor.u32 s14, s2;
	s2 =	rddreg [dreg:$0x2]  }
0xa: {  	_ =	strace $0x80000047;
	s13 =	sshrl.u32 s0, $0x1;
	s12 =	sshrl.u32 s12, $0x2  }
0xb: {  	s7 =	sadd.s32 s7, s8;
	s3 =	smul.u32 $0x5000, s3;
	s10 =	sadd.s32 s8, s10  }
0xc: {  	s0 =	ssub.s32 s0, s13;
	s21 =	sadd.s32 s12, s2;
	[dreg:$0x4] =	wrdreg s7  }
0xd: {  	s7 =	simm.s32 $0x0;
	s0 =	smax.u32 s0, $0x1;
	s9 =	sshrl.u32 s3, $0x3  }
0xe: {  	[dreg:$0xa] =	wrdreg s0;
	s11 =	sadd.s32 s9, s1;
	s23 =	sadd.s32 s5, s9  }
0xf: {  	s1 =	sadd.s32 s10, s1;
	s10 =	sshrl.u32 s21, $0x3;
	[dreg:$0x5] =	wrdreg s23  }
0x10: {  	s0 =	simm.s32 $0x7;
	s24 =	sadd.s32 $0x600, s11;
	[dreg:$0xb] =	wrdreg s10  }
0x11: {  	s9 =	sor.u32 $0x1C0A, s22;
	s25 =	sadd.s32 $0x10, s23;
	[dreg:$0x6] =	wrdreg s24  }
0x12: {  	s21 =	simm.s32 $0x7180;
	s26 =	sadd.s32 $0x20, s23;
	[dreg:$0x7] =	wrdreg s25  }
0x13: {  	s22 =	simm.s32 $0x5080;
	s1 =	sadd.s32 $0x118600, s1;
	[dreg:$0x8] =	wrdreg s26  }
0x14: {  	s23 =	simm.s32 $0x9;
	[dreg:$0x9] =	wrdreg s1;
	s24 =	simm.s32 $0x9180  }
0x15: {  	s25 =	simm.s32 $0x5100;
	s26 =	simm.s32 $0x1;
	s1 =	simm.s32 $0x6  }
.LBB2_1:
0x16: {  	s8 =	rddreg [dreg:$0x4]  }
0x17: {  	[spmem:s10], [sflag:s9] =	dma.local [hbm:s8], $0x2800  }
0x18: {  	_ =	swait.ge [sflag:s16], $0x2800  }
0x19: {  	[sflag:s16] =	ssyncset.done $0x0  }
0x1a: {  	s15 =	smov.u32 s9;
	s9 =	rddreg [dreg:$0x6];
	[sflag:s16] =	ssyncadd.s32 $0xFFFFD800  }
0x1b: {  	[tilespmem:s4], [sflag:$0xA] =	stream.linear.gather [hbm4b:s9+s4], $0x4F80, $0x38;
	[tilespmem:$0x1F180] =	vst v63  }
0x1c: {  	_ =	swait.ge [sflag:s16], $0x4F80  }
0x1d: {  	[sflag:s16] =	ssyncset.done $0x0  }
0x1e: {  	[sflag:s16] =	ssyncadd.s32 $0xFFFFB080  }
0x1f: {  	[bflag:$0x0] =	sbarrier.arrive $0xFFFF  }
0x20: {  	[tilespmem:s18], [sflag:$0x1] =	stream.indirect.gather [hbm4b:s6+s17], $0x80, s4, s17, $0xb8;
	[tilespmem:$0x1F180] =	vst v63  }
0x21: {  	s10 =	rddreg [dreg:$0x5]  }
0x22: {  	[tilespmem:s19], [sflag:$0x4] =	stream.linear.gather [hbm4b:s10+s4], $0x80, $0x38;
	[tilespmem:$0x1F180] =	vst v63  }
0x23: {  	s11 =	simm.s32 $0x80  }
0x24: {  	[tilespmem:s21], [sflag:$0x2] =	stream.indirect.gather [hbm4b:s6+s17], $0x80, s11, s17, $0xb8;
	[tilespmem:$0x1F180] =	vst v63  }
0x25: {  	s12 =	rddreg [dreg:$0x7]  }
0x26: {  	[tilespmem:s22], [sflag:$0x5] =	stream.linear.gather [hbm4b:s12+s4], $0x80, $0x38;
	[tilespmem:$0x1F180] =	vst v63  }
0x27: {  	s13 =	simm.s32 $0x100  }
0x28: {  	[tilespmem:s24], [sflag:$0x3] =	stream.indirect.gather [hbm4b:s6+s17], $0x80, s13, s17, $0xb8;
	[tilespmem:$0x1F180] =	vst v63  }
0x29: {  	s14 =	rddreg [dreg:$0x8]  }
0x2a: {  	[tilespmem:s25], [sflag:$0x6] =	stream.linear.gather [hbm4b:s14+s4], $0x80, $0x38;
	[tilespmem:$0x1F180] =	vst v63  }
0x2b: {  	_ =	swait.ge [sflag:s26], $0x2000  }
0x2c: {  	[sflag:s26] =	ssyncset.done $0x0  }
0x2d: {  	[sflag:s26] =	ssyncadd.s32 $0xFFFFE000  }
0x2e: {  	_ =	swait.ge [sflag:s28], $0x80  }
0x2f: {  	[sflag:s28] =	ssyncset.done $0x0  }
0x30: {  	[sflag:s28] =	ssyncadd.s32 $0xFFFFFF80  }
0x31: {  	[spmem:s2] =	stream.indirect.scatter.add.f32 [tilespmem:s18], [sflag:$0x7], $0x80, s19, s17, $0xb8;
	[tilespmem:$0x1F180] =	vst v63  }
0x32: {  	_ =	swait.ge [sflag:s29], $0x2000  }
0x33: {  	[sflag:s29] =	ssyncset.done $0x0  }
0x34: {  	[sflag:s29] =	ssyncadd.s32 $0xFFFFE000  }
0x35: {  	_ =	swait.ge [sflag:s30], $0x80  }
0x36: {  	[sflag:s30] =	ssyncset.done $0x0  }
0x37: {  	[sflag:s30] =	ssyncadd.s32 $0xFFFFFF80  }
0x38: {  	[spmem:s2] =	stream.indirect.scatter.add.f32 [tilespmem:s21], [sflag:$0x8], $0x80, s22, s17, $0xb8;
	[tilespmem:$0x1F180] =	vst v63  }
0x39: {  	_ =	swait.ge [sflag:s31], $0x2000  }
0x3a: {  	[sflag:s31] =	ssyncset.done $0x0  }
0x3b: {  	[sflag:s31] =	ssyncadd.s32 $0xFFFFE000  }
0x3c: {  	_ =	swait.ge [sflag:s1], $0x80  }
0x3d: {  	s8 =	simm.s32 $0x180;
	[sflag:s1] =	ssyncset.done $0x0  }
0x3e: {  	s11 =	sand.u32 $0xFC00, s8;
	[sflag:s1] =	ssyncadd.s32 $0xFFFFFF80  }
0x3f: {  	[spmem:s2] =	stream.indirect.scatter.add.f32 [tilespmem:s24], [sflag:$0x9], $0x80, s25, s17, $0xb8;
	[tilespmem:$0x1F180] =	vst v63  }
0x40: {  	s10 =	sand.u32 $0x380, s8;
	s11 =	sadd.s32 s3, s11;
	_ =	swait.ge [sflag:s0], $0x2000  }
0x41: {  	s9 =	simm.s32 $0x180;
	s10 =	sor.u32 s10, s11;
	[sflag:s0] =	ssyncset.done $0x0  }
0x42: {  	s12 =	simm.s32 $0x200;
	s10 =	sshrl.u32 s10, $0x3;
	[sflag:s0] =	ssyncadd.s32 $0xFFFFE000  }
0x43: {  	[tilespmem:s18], [sflag:$0x1] =	stream.indirect.gather [hbm4b:s6+s17], $0x80, s9, s17, $0xb8;
	[tilespmem:$0x1F180] =	vst v63  }
0x44: {  	s10 =	sadd.s32 s5, s10;
	s13 =	sand.u32 $0xFC00, s12  }
0x45: {  	[tilespmem:s19], [sflag:$0x4] =	stream.linear.gather [hbm4b:s10+s4], $0x80, $0x38;
	[tilespmem:$0x1F180] =	vst v63  }
0x46: {  	s11 =	sand.u32 $0x380, s12;
	s10 =	sadd.s32 s3, s13;
	_ =	swait.ge [sflag:s20], $0x2000  }
0x47: {  	s12 =	simm.s32 $0x200;
	s11 =	sor.u32 s11, s10;
	[sflag:s20] =	ssyncset.done $0x0  }
0x48: {  	s10 =	simm.s32 $0x280;
	s11 =	sshrl.u32 s11, $0x3;
	[sflag:s20] =	ssyncadd.s32 $0xFFFFE000  }
0x49: {  	[tilespmem:s21], [sflag:$0x2] =	stream.indirect.gather [hbm4b:s6+s17], $0x80, s12, s17, $0xb8;
	[tilespmem:$0x1F180] =	vst v63  }
0x4a: {  	s14 =	sand.u32 $0xFC00, s10;
	s11 =	sadd.s32 s5, s11  }
0x4b: {  	[tilespmem:s22], [sflag:$0x5] =	stream.linear.gather [hbm4b:s11+s4], $0x80, $0x38;
	[tilespmem:$0x1F180] =	vst v63  }
0x4c: {  	s13 =	sand.u32 $0x380, s10;
	s12 =	sadd.s32 s3, s14;
	_ =	swait.ge [sflag:s23], $0x2000  }
0x4d: {  	s12 =	sor.u32 s13, s12;
	s11 =	simm.s32 $0x400;
	[sflag:s23] =	ssyncset.done $0x0  }
0x4e: {  	s14 =	sshrl.u32 s12, $0x3;
	s12 =	simm.s32 $0x400;
	[sflag:s23] =	ssyncadd.s32 $0xFFFFE000  }
.LBB2_2:
0x4f: {  	[tilespmem:s24], [sflag:$0x3] =	stream.indirect.gather [hbm4b:s6+s17], $0x80, s10, s17, $0xb8;
	[tilespmem:$0x1F180] =	vst v63  }
0x50: {  	s13 =	smov.u32 s11;
	s10 =	smov.u32 s12  }
0x51: {  	p0 =	sne.s32 s11, $0x4F00;
	s11 =	sadd.s32 $0x180, s11;
	s14 =	sadd.s32 s5, s14  }
0x52: {  	[tilespmem:s25], [sflag:$0x6] =	stream.linear.gather [hbm4b:s14+s4], $0x80, $0x38;
	[tilespmem:$0x1F180] =	vst v63  }
0x53: {  	_ =	swait.ge [sflag:s26], $0x2000  }
0x54: {  	[sflag:s26] =	ssyncset.done $0x0  }
0x55: {  	[sflag:s26] =	ssyncadd.s32 $0xFFFFE000  }
0x56: {  	_ =	swait.ge [sflag:s28], $0x80  }
0x57: {  	[sflag:s28] =	ssyncset.done $0x0  }
0x58: {  	[sflag:s28] =	ssyncadd.s32 $0xFFFFFF80  }
0x59: {  	[spmem:s2] =	stream.indirect.scatter.add.f32 [tilespmem:s18], [sflag:$0x7], $0x80, s19, s17, $0xb8;
	[tilespmem:$0x1F180] =	vst v63  }
0x5a: {  	_ =	swait.ge [sflag:s29], $0x2000  }
0x5b: {  	[sflag:s29] =	ssyncset.done $0x0  }
0x5c: {  	[sflag:s29] =	ssyncadd.s32 $0xFFFFE000  }
0x5d: {  	_ =	swait.ge [sflag:s30], $0x80  }
0x5e: {  	[sflag:s30] =	ssyncset.done $0x0  }
0x5f: {  	[sflag:s30] =	ssyncadd.s32 $0xFFFFFF80  }
0x60: {  	[spmem:s2] =	stream.indirect.scatter.add.f32 [tilespmem:s21], [sflag:$0x8], $0x80, s22, s17, $0xb8;
	[tilespmem:$0x1F180] =	vst v63  }
0x61: {  	_ =	swait.ge [sflag:s31], $0x2000  }
0x62: {  	[sflag:s31] =	ssyncset.done $0x0  }
0x63: {  	[sflag:s31] =	ssyncadd.s32 $0xFFFFE000  }
0x64: {  	_ =	swait.ge [sflag:s1], $0x80  }
0x65: {  	s14 =	sadd.s32 $0xFFFFFF00, s13;
	[sflag:s1] =	ssyncset.done $0x0  }
0x66: {  	s8 =	sand.u32 $0xFC00, s14;
	[sflag:s1] =	ssyncadd.s32 $0xFFFFFF80  }
0x67: {  	[spmem:s2] =	stream.indirect.scatter.add.f32 [tilespmem:s24], [sflag:$0x9], $0x80, s25, s17, $0xb8;
	[tilespmem:$0x1F180] =	vst v63  }
0x68: {  	s14 =	sand.u32 $0x380, s14;
	s8 =	sadd.s32 s3, s8;
	_ =	swait.ge [sflag:s0], $0x2000  }
0x69: {  	s9 =	sadd.s32 $0xFFFFFF00, s12;
	s8 =	sor.u32 s14, s8;
	[sflag:s0] =	ssyncset.done $0x0  }
0x6a: {  	s8 =	sshrl.u32 s8, $0x3;
	[sflag:s0] =	ssyncadd.s32 $0xFFFFE000  }
0x6b: {  	[tilespmem:s18], [sflag:$0x1] =	stream.indirect.gather [hbm4b:s6+s17], $0x80, s9, s17, $0xb8;
	[tilespmem:$0x1F180] =	vst v63  }
0x6c: {  	s8 =	sadd.s32 s5, s8;
	s9 =	sadd.s32 $0xFFFFFF80, s13  }
0x6d: {  	[tilespmem:s19], [sflag:$0x4] =	stream.linear.gather [hbm4b:s8+s4], $0x80, $0x38;
	[tilespmem:$0x1F180] =	vst v63  }
0x6e: {  	s8 =	sand.u32 $0xFC00, s9;
	s9 =	sand.u32 $0x380, s9;
	_ =	swait.ge [sflag:s20], $0x2000  }
0x6f: {  	s8 =	sadd.s32 s3, s8;
	[sflag:s20] =	ssyncset.done $0x0  }
0x70: {  	s14 =	sadd.s32 $0xFFFFFF80, s12;
	s8 =	sor.u32 s9, s8;
	[sflag:s20] =	ssyncadd.s32 $0xFFFFE000  }
0x71: {  	[tilespmem:s21], [sflag:$0x2] =	stream.indirect.gather [hbm4b:s6+s17], $0x80, s14, s17, $0xb8;
	[tilespmem:$0x1F180] =	vst v63  }
0x72: {  	s8 =	sshrl.u32 s8, $0x3  }
.Ltmp0:
0x73: {  	s9 =	sand.u32 $0xFC00, s13;
	s8 =	sadd.s32 s5, s8;
	(pc) =	sbr.rel @p0 .LBB2_2-.Ltmp0, $4  }
0x74: {  	[tilespmem:s22], [sflag:$0x5] =	stream.linear.gather [hbm4b:s8+s4], $0x80, $0x38;
	[tilespmem:$0x1F180] =	vst v63  }
0x75: {  	s8 =	sadd.s32 s3, s9;
	s9 =	sand.u32 $0x380, s13;
	_ =	swait.ge [sflag:s23], $0x2000  }
0x76: {  	s8 =	sor.u32 s9, s8;
	[sflag:s23] =	ssyncset.done $0x0  }
0x77: {  	s12 =	sadd.s32 $0x180, s12;
	s14 =	sshrl.u32 s8, $0x3;
	[sflag:s23] =	ssyncadd.s32 $0xFFFFE000  }
0x78: {  	[tilespmem:s24], [sflag:$0x3] =	stream.indirect.gather [hbm4b:s6+s17], $0x80, s10, s17, $0xb8;
	[tilespmem:$0x1F180] =	vst v63  }
0x79: {  	s8 =	sadd.s32 s5, s14  }
0x7a: {  	[tilespmem:s25], [sflag:$0x6] =	stream.linear.gather [hbm4b:s8+s4], $0x80, $0x38;
	[tilespmem:$0x1F180] =	vst v63  }
0x7b: {  	_ =	swait.ge [sflag:s26], $0x2000  }
0x7c: {  	[sflag:s26] =	ssyncset.done $0x0  }
0x7d: {  	[sflag:s26] =	ssyncadd.s32 $0xFFFFE000  }
0x7e: {  	_ =	swait.ge [sflag:s28], $0x80  }
0x7f: {  	[sflag:s28] =	ssyncset.done $0x0  }
0x80: {  	[sflag:s28] =	ssyncadd.s32 $0xFFFFFF80  }
0x81: {  	[spmem:s2] =	stream.indirect.scatter.add.f32 [tilespmem:s18], [sflag:$0x7], $0x80, s19, s17, $0xb8;
	[tilespmem:$0x1F180] =	vst v63  }
0x82: {  	_ =	swait.ge [sflag:s29], $0x2000  }
0x83: {  	[sflag:s29] =	ssyncset.done $0x0  }
0x84: {  	[sflag:s29] =	ssyncadd.s32 $0xFFFFE000  }
0x85: {  	_ =	swait.ge [sflag:s30], $0x80  }
0x86: {  	[sflag:s30] =	ssyncset.done $0x0  }
0x87: {  	[sflag:s30] =	ssyncadd.s32 $0xFFFFFF80  }
0x88: {  	[spmem:s2] =	stream.indirect.scatter.add.f32 [tilespmem:s21], [sflag:$0x8], $0x80, s22, s17, $0xb8;
	[tilespmem:$0x1F180] =	vst v63  }
0x89: {  	_ =	swait.ge [sflag:s31], $0x2000  }
0x8a: {  	[sflag:s31] =	ssyncset.done $0x0  }
0x8b: {  	[sflag:s31] =	ssyncadd.s32 $0xFFFFE000  }
0x8c: {  	_ =	swait.ge [sflag:s1], $0x80  }
0x8d: {  	[sflag:s1] =	ssyncset.done $0x0  }
0x8e: {  	[sflag:s1] =	ssyncadd.s32 $0xFFFFFF80  }
0x8f: {  	[spmem:s2] =	stream.indirect.scatter.add.f32 [tilespmem:s24], [sflag:$0x9], $0x80, s25, s17, $0xb8;
	[tilespmem:$0x1F180] =	vst v63  }
0x90: {  	_ =	swait.ge [sflag:s0], $0x2000  }
0x91: {  	[sflag:s0] =	ssyncset.done $0x0  }
0x92: {  	[sflag:s0] =	ssyncadd.s32 $0xFFFFE000  }
0x93: {  	_ =	swait.ge [sflag:s20], $0x2000  }
0x94: {  	[sflag:s20] =	ssyncset.done $0x0  }
0x95: {  	[sflag:s20] =	ssyncadd.s32 $0xFFFFE000  }
0x96: {  	_ =	swait.ge [sflag:s23], $0x2000  }
0x97: {  	[sflag:s23] =	ssyncset.done $0x0  }
0x98: {  	[sflag:s23] =	ssyncadd.s32 $0xFFFFE000  }
0x99: {  	[bflag:$0x0] =	sbarrier.arrive $0xFFFF  }
0x9a: {  	s14 =	rddreg [dreg:$0x9]  }
0x9b: {  	s10 =	rddreg [dreg:$0xb]  }
0x9c: {  	[hbm:s14], [sflag:s15] =	dma.local [spmem:s10], $0x2800  }
0x9d: {  	_ =	swait.ge [sflag:s16], $0x2800  }
0x9e: {  	s9 =	smov.u32 s15;
	s7 =	sadd.s32 $0x1, s7;
	s15 =	rddreg [dreg:$0xa]  }
0x9f: {  	p0 =	sne.s32 s7, s15  }
.Ltmp1:
0xa0: {  	_ = 	snop;
	(pc) =	sbr.rel @p0 .LBB2_1-.Ltmp1, $3  }
0xa1: {  	_ =	sdelay $0x1  }
0xa2: {  	[sflag:s16] =	ssyncset.done $0x0  }
0xa3: {  	[sflag:s16] =	ssyncadd.s32 $0xFFFFD800  }
0xa4: {  	_ =	sfence.sel $0x180000  }
0xa5: {  	[bflag:$0x0] =	sbarrier.arrive $0xFFFF  }
0xa6: {  	_ =	strace $0x90000047  }
0xa7: {  	s0 =	stileid.u32;
	[bflag:$0x2] =	sbarrier.arrive $0xFFFF  }
0xa8: {  	p0 =	sne.s32 s0, $0x0;
	s0 =	rddreg [dreg:$0x3]  }
0xa9: {  	s0 =	sadd.s32 @!p0 $0x100000, s0  }
0xaa: {  	[sflag:s0] =	ssyncadd.tile.s32 @!p0 $0x1;
	_ =	shalt  }
.Lfunc_end2:
_tile_overlayer_lowered:
.L_overlay_start_2:
0xab: {  	(tag) =	ssettag $0x2  }
0xac: {  	s0 =	rddreg [dreg:$0x0];
	s2 =	stileid.u32  }
0xad: {  	s1 =	rddreg [dreg:$0x1];
	p0 =	sne.s32 s2, $0x0  }
0xae: {  	s3 =	rddreg [dreg:$0x2];
	[bflag:$0x3] =	sbarrier.arrive $0xFFFF;
	s2 =	simm.s32 @!p0 $0x1C0A  }
0xaf: {  	[timem:s3], [sflag:s2] =	dma.local @!p0 [hbm:s0], s1  }
0xb0: {  	s0 =	simm.s32 @!p0 $0xA  }
0xb1: {  	_ =	swait.ge @!p0 [sflag:s0], s1  }
0xb2: {  	s1 =	ssub.s32 @!p0 $0x0, s1;
	[sflag:s0] =	ssyncset.done @!p0 $0x0  }
0xb3: {  	[sflag:s0] =	ssyncadd.s32 @!p0 s1  }
0xb4: {  	[bflag:$0x3] =	sbarrier.arrive $0xFFFF  }
0xb5: {  	_ =	shalt  }

</sc_bundles>
